<compile_context>
chip_gen: v7x
topology: tpu7x:2x2x1
jax: 0.10.2.dev20260603
libtpu: 0.0.44.dev20260713+nightly
codegen_flags: <defaults>
</compile_context>

<pallas_src>
import functools

import jax
import jax.numpy as jnp
from jax import lax
from jax.experimental import pallas as pl
from jax.experimental.pallas import tpu as pltpu

_BETA = 0.5
_MSB = -0x80000000
_NCHUNK = 8


def _float_keys(hm):
    u = lax.bitcast_convert_type(hm, jnp.int32)
    signed = jnp.where(u >= 0, u, u ^ jnp.int32(0x7FFFFFFF))
    return signed ^ jnp.int32(_MSB)


def _cnt(pred):
    return jnp.where(pred, jnp.int32(1), jnp.int32(0))


def _kth_largest(fkeys, k):
    pmask = jnp.int32(0)
    pval = jnp.int32(0)
    kk = jnp.int32(k)
    for s in range(16):
        sh = 30 - 2 * s
        q = (fkeys >> sh) & jnp.int32(3)
        matches = (fkeys & pmask) == pval
        r1 = jnp.sum(_cnt(matches & (q == 3))
                     + (_cnt(matches & (q == 2)) << 11))
        c1 = jnp.sum(_cnt(matches & (q == 1)))
        c3 = r1 & jnp.int32(0x7FF)
        c2 = r1 >> 11
        t3 = c3
        t2 = c3 + c2
        t1 = t2 + c1
        sel3 = kk <= t3
        sel2 = (~sel3) & (kk <= t2)
        sel1 = (~sel3) & (~sel2) & (kk <= t1)
        pick = jnp.where(
            sel3, jnp.int32(3),
            jnp.where(sel2, jnp.int32(2),
                      jnp.where(sel1, jnp.int32(1), jnp.int32(0))))
        sub = jnp.where(
            sel3, jnp.int32(0),
            jnp.where(sel2, t3, jnp.where(sel1, t2, t1)))
        pmask = pmask | (jnp.int32(3) << sh)
        pval = pval | (pick << sh)
        kk = kk - sub
    return pval, kk


def _tie_index_bound(eq, iota, r):
    base = jnp.int32(0)
    for s in range(5):
        w = jnp.int32(256 >> (2 * s))
        r1 = jnp.sum(_cnt(eq & (iota <= base + w - 1))
                     + (_cnt(eq & (iota <= base + 2 * w - 1)) << 11))
        cc = jnp.sum(_cnt(eq & (iota <= base + 3 * w - 1)))
        ca = r1 & jnp.int32(0x7FF)
        cb = r1 >> 11
        step = jnp.where(
            ca >= r, jnp.int32(0),
            jnp.where(cb >= r, w, jnp.where(cc >= r, 2 * w, 3 * w)))
        base = base + step
    return base


def _compute_mask(hm, k):
    fkeys = _float_keys(hm)
    t, r = _kth_largest(fkeys, k)
    keys = fkeys ^ jnp.int32(_MSB)
    tt = t ^ jnp.int32(_MSB)
    iota = (lax.broadcasted_iota(jnp.int32, hm.shape, 0) * 128
            + lax.broadcasted_iota(jnp.int32, hm.shape, 1))
    eq = keys == tt
    j = _tie_index_bound(eq, iota, r)
    drop = (keys > tt) | (eq & (iota <= j))
    return jnp.where(drop, jnp.float32(0.0), jnp.float32(1.0))


def _heblock_body(x_hbm, o_hbm, in_buf, out_buf, in_sems, out_sems, *, k, nb):
    N = x_hbm.shape[1]
    cch = N // _NCHUNK
    b = pl.program_id(0)
    slot = lax.rem(b, 2)
    nslot = lax.rem(b + 1, 2)

    def in_copy(batch, slot_, ci):
        return pltpu.make_async_copy(
            x_hbm.at[batch, pl.ds(ci * cch, cch)],
            in_buf.at[slot_, pl.ds(ci * cch, cch)],
            in_sems.at[slot_, ci])

    def out_copy(batch, slot_, ci):
        return pltpu.make_async_copy(
            out_buf.at[slot_, pl.ds(ci * cch, cch)],
            o_hbm.at[batch, pl.ds(ci * cch, cch)],
            out_sems.at[slot_, ci])

    @pl.when(b == 0)
    def _():
        for ci in range(_NCHUNK):
            in_copy(b, slot, ci).start()

    @pl.when(b + 1 < nb)
    def _():
        for ci in range(_NCHUNK):
            in_copy(b + 1, nslot, ci).start()

    for ci in range(_NCHUNK):
        in_copy(b, slot, ci).wait()

    @pl.when(b >= 2)
    def _():
        for ci in range(_NCHUNK):
            out_copy(b - 2, slot, ci).wait()

    out_buf[slot] = in_buf[slot]

    for ci in range(_NCHUNK):
        out_copy(b, slot, ci).start()

    @pl.when(b == nb - 1)
    def _():
        for ci in range(_NCHUNK):
            out_copy(b - 1, nslot, ci).wait()
            out_copy(b, slot, ci).wait()


def kernel(x):
    B, C, H, W = x.shape
    n = H * W
    k = int(_BETA * n)
    x2 = x.reshape(B, C * n)
    body = functools.partial(_heblock_body, k=k, nb=B)
    out = pl.pallas_call(
        body,
        grid=(B,),
        in_specs=[pl.BlockSpec(memory_space=pl.ANY)],
        out_specs=pl.BlockSpec(memory_space=pl.ANY),
        out_shape=jax.ShapeDtypeStruct((B, C * n), jnp.float32),
        scratch_shapes=[
            pltpu.MemorySpace.VMEM((2, C * n), jnp.float32),
            pltpu.MemorySpace.VMEM((2, C * n), jnp.float32),
            pltpu.SemaphoreType.DMA((2, _NCHUNK)),
            pltpu.SemaphoreType.DMA((2, _NCHUNK)),
        ],
    )(x2)
    return out.reshape(B, C, H, W)

# --- scband reference (transcript-rebuilt; emitter-appended) ---
"""Pipeline reference for scband-heblock-58789512347885 (READ-ONLY COPY).

The authoritative reference and input builder live on the scoring server;
editing this copy changes nothing except your own understanding.
"""

import jax, jax.numpy as jnp
import numpy as np

BETA = 0.5

def setup_inputs(seed: int = 0) -> dict:
    key = jax.random.key(seed)
    x = jax.random.normal(key, (16, 768, 32, 32), dtype=jnp.float32)
    return {"x": x}

def reference(x):
    B, C, H, W = x.shape
    heatmap = jnp.sum(x, axis=1, keepdims=True)  # [B,1,H,W]
    heatmap_flat = heatmap.reshape(B, -1)        # [B, H*W]
    k = int(BETA * heatmap_flat.shape[1])
    _, top_indices = jax.lax.top_k(heatmap_flat, k)
    mask = jnp.ones_like(heatmap_flat)
    mask = mask.at[jnp.arange(B)[:, None], top_indices].set(0.0)
    mask = mask.reshape(B, 1, H, W)
    return x * mask

if __name__ == "__main__":
    import jax
    _d = setup_inputs()
    print(jax.jit(kernel)(*tuple(_d.values())))

</pallas_src>

<mosaic_0001>
module attributes {stable_mosaic.version = 14 : i64} {
  func.func @_heblock_body(%arg0: i32, %arg1: memref<16x786432xf32, #tpu.memory_space<any>>, %arg2: memref<16x786432xf32, #tpu.memory_space<any>>, %arg3: memref<2x786432xf32, #tpu.memory_space<vmem>>, %arg4: memref<2x786432xf32, #tpu.memory_space<vmem>>, %arg5: memref<2x8x!tpu.dma_semaphore, #tpu.memory_space<semaphore_mem>>, %arg6: memref<2x8x!tpu.dma_semaphore, #tpu.memory_space<semaphore_mem>>) attributes {dimension_semantics = [#tpu.dimension_semantics<arbitrary>], iteration_bounds = array<i64: 16>, scalar_prefetch = 0 : i64, scratch_operands = 4 : i64, tpu.core_type = #tpu.core_type<tc>, window_params = [{}, {}]} {
    %rem3A = arith.constant 2 : i32
    %rem3A_0 = arith.remsi %arg0, %rem3A : i32
    %add3A = arith.constant 1 : i32
    %add3A_1 = arith.addi %arg0, %add3A : i32
    %rem3A_2 = arith.constant 2 : i32
    %rem3A_3 = arith.remsi %add3A_1, %rem3A_2 : i32
    %eq3A = arith.constant 0 : i32
    %eq3A_4 = arith.cmpi eq, %arg0, %eq3A : i32
    %convert_element_type3A = arith.extui %eq3A_4 : i1 to i32
    %cond3A = arith.constant 0 : i32
    %cond3A_5 = arith.cmpi ne, %convert_element_type3A, %cond3A : i32
    scf.if %cond3A_5 {
      %dma_start3A_170 = arith.constant 0 : i32
      %dma_start3A_171 = tpu.memref_slice %arg5[%rem3A_0, %dma_start3A_170] : memref<2x8x!tpu.dma_semaphore, #tpu.memory_space<semaphore_mem>> -> memref<1x1x!tpu.dma_semaphore, #tpu.memory_space<semaphore_mem>>
      %dma_start3A_172 = tpu.memref_squeeze %dma_start3A_171 : memref<1x1x!tpu.dma_semaphore, #tpu.memory_space<semaphore_mem>> -> memref<!tpu.dma_semaphore, #tpu.memory_space<semaphore_mem>>
      %dma_start3A_173 = arith.constant 0 : i32
      %dma_start3A_174 = tpu.memref_slice %arg3[%rem3A_0, %dma_start3A_173] : memref<2x786432xf32, #tpu.memory_space<vmem>> -> memref<1x98304xf32, #tpu.memory_space<vmem>>
      %dma_start3A_175 = tpu.memref_squeeze %dma_start3A_174 : memref<1x98304xf32, #tpu.memory_space<vmem>> -> memref<98304xf32, #tpu.memory_space<vmem>>
      %dma_start3A_176 = arith.constant 0 : i32
      %dma_start3A_177 = tpu.memref_slice %arg1[%arg0, %dma_start3A_176] : memref<16x786432xf32, #tpu.memory_space<any>> -> memref<1x98304xf32, #tpu.memory_space<any>>
      %dma_start3A_178 = tpu.memref_squeeze %dma_start3A_177 : memref<1x98304xf32, #tpu.memory_space<any>> -> memref<98304xf32, #tpu.memory_space<any>>
      tpu.enqueue_dma source(%dma_start3A_178 : memref<98304xf32, #tpu.memory_space<any>>) target(%dma_start3A_175 : memref<98304xf32, #tpu.memory_space<vmem>>) target_semaphore(%dma_start3A_172 : memref<!tpu.dma_semaphore, #tpu.memory_space<semaphore_mem>>)
      %dma_start3A_179 = arith.constant 1 : i32
      %dma_start3A_180 = tpu.memref_slice %arg5[%rem3A_0, %dma_start3A_179] : memref<2x8x!tpu.dma_semaphore, #tpu.memory_space<semaphore_mem>> -> memref<1x1x!tpu.dma_semaphore, #tpu.memory_space<semaphore_mem>>
      %dma_start3A_181 = tpu.memref_squeeze %dma_start3A_180 : memref<1x1x!tpu.dma_semaphore, #tpu.memory_space<semaphore_mem>> -> memref<!tpu.dma_semaphore, #tpu.memory_space<semaphore_mem>>
      %dma_start3A_182 = arith.constant 98304 : i32
      %dma_start3A_183 = tpu.memref_slice %arg3[%rem3A_0, %dma_start3A_182] : memref<2x786432xf32, #tpu.memory_space<vmem>> -> memref<1x98304xf32, #tpu.memory_space<vmem>>
      %dma_start3A_184 = tpu.memref_squeeze %dma_start3A_183 : memref<1x98304xf32, #tpu.memory_space<vmem>> -> memref<98304xf32, #tpu.memory_space<vmem>>
      %dma_start3A_185 = arith.constant 98304 : i32
      %dma_start3A_186 = tpu.memref_slice %arg1[%arg0, %dma_start3A_185] : memref<16x786432xf32, #tpu.memory_space<any>> -> memref<1x98304xf32, #tpu.memory_space<any>>
      %dma_start3A_187 = tpu.memref_squeeze %dma_start3A_186 : memref<1x98304xf32, #tpu.memory_space<any>> -> memref<98304xf32, #tpu.memory_space<any>>
      tpu.enqueue_dma source(%dma_start3A_187 : memref<98304xf32, #tpu.memory_space<any>>) target(%dma_start3A_184 : memref<98304xf32, #tpu.memory_space<vmem>>) target_semaphore(%dma_start3A_181 : memref<!tpu.dma_semaphore, #tpu.memory_space<semaphore_mem>>)
      %dma_start3A_188 = arith.constant 2 : i32
      %dma_start3A_189 = tpu.memref_slice %arg5[%rem3A_0, %dma_start3A_188] : memref<2x8x!tpu.dma_semaphore, #tpu.memory_space<semaphore_mem>> -> memref<1x1x!tpu.dma_semaphore, #tpu.memory_space<semaphore_mem>>
      %dma_start3A_190 = tpu.memref_squeeze %dma_start3A_189 : memref<1x1x!tpu.dma_semaphore, #tpu.memory_space<semaphore_mem>> -> memref<!tpu.dma_semaphore, #tpu.memory_space<semaphore_mem>>
      %dma_start3A_191 = arith.constant 196608 : i32
      %dma_start3A_192 = tpu.memref_slice %arg3[%rem3A_0, %dma_start3A_191] : memref<2x786432xf32, #tpu.memory_space<vmem>> -> memref<1x98304xf32, #tpu.memory_space<vmem>>
      %dma_start3A_193 = tpu.memref_squeeze %dma_start3A_192 : memref<1x98304xf32, #tpu.memory_space<vmem>> -> memref<98304xf32, #tpu.memory_space<vmem>>
      %dma_start3A_194 = arith.constant 196608 : i32
      %dma_start3A_195 = tpu.memref_slice %arg1[%arg0, %dma_start3A_194] : memref<16x786432xf32, #tpu.memory_space<any>> -> memref<1x98304xf32, #tpu.memory_space<any>>
      %dma_start3A_196 = tpu.memref_squeeze %dma_start3A_195 : memref<1x98304xf32, #tpu.memory_space<any>> -> memref<98304xf32, #tpu.memory_space<any>>
      tpu.enqueue_dma source(%dma_start3A_196 : memref<98304xf32, #tpu.memory_space<any>>) target(%dma_start3A_193 : memref<98304xf32, #tpu.memory_space<vmem>>) target_semaphore(%dma_start3A_190 : memref<!tpu.dma_semaphore, #tpu.memory_space<semaphore_mem>>)
      %dma_start3A_197 = arith.constant 3 : i32
      %dma_start3A_198 = tpu.memref_slice %arg5[%rem3A_0, %dma_start3A_197] : memref<2x8x!tpu.dma_semaphore, #tpu.memory_space<semaphore_mem>> -> memref<1x1x!tpu.dma_semaphore, #tpu.memory_space<semaphore_mem>>
      %dma_start3A_199 = tpu.memref_squeeze %dma_start3A_198 : memref<1x1x!tpu.dma_semaphore, #tpu.memory_space<semaphore_mem>> -> memref<!tpu.dma_semaphore, #tpu.memory_space<semaphore_mem>>
      %dma_start3A_200 = arith.constant 294912 : i32
      %dma_start3A_201 = tpu.memref_slice %arg3[%rem3A_0, %dma_start3A_200] : memref<2x786432xf32, #tpu.memory_space<vmem>> -> memref<1x98304xf32, #tpu.memory_space<vmem>>
      %dma_start3A_202 = tpu.memref_squeeze %dma_start3A_201 : memref<1x98304xf32, #tpu.memory_space<vmem>> -> memref<98304xf32, #tpu.memory_space<vmem>>
      %dma_start3A_203 = arith.constant 294912 : i32
      %dma_start3A_204 = tpu.memref_slice %arg1[%arg0, %dma_start3A_203] : memref<16x786432xf32, #tpu.memory_space<any>> -> memref<1x98304xf32, #tpu.memory_space<any>>
      %dma_start3A_205 = tpu.memref_squeeze %dma_start3A_204 : memref<1x98304xf32, #tpu.memory_space<any>> -> memref<98304xf32, #tpu.memory_space<any>>
      tpu.enqueue_dma source(%dma_start3A_205 : memref<98304xf32, #tpu.memory_space<any>>) target(%dma_start3A_202 : memref<98304xf32, #tpu.memory_space<vmem>>) target_semaphore(%dma_start3A_199 : memref<!tpu.dma_semaphore, #tpu.memory_space<semaphore_mem>>)
      %dma_start3A_206 = arith.constant 4 : i32
      %dma_start3A_207 = tpu.memref_slice %arg5[%rem3A_0, %dma_start3A_206] : memref<2x8x!tpu.dma_semaphore, #tpu.memory_space<semaphore_mem>> -> memref<1x1x!tpu.dma_semaphore, #tpu.memory_space<semaphore_mem>>
      %dma_start3A_208 = tpu.memref_squeeze %dma_start3A_207 : memref<1x1x!tpu.dma_semaphore, #tpu.memory_space<semaphore_mem>> -> memref<!tpu.dma_semaphore, #tpu.memory_space<semaphore_mem>>
      %dma_start3A_209 = arith.constant 393216 : i32
      %dma_start3A_210 = tpu.memref_slice %arg3[%rem3A_0, %dma_start3A_209] : memref<2x786432xf32, #tpu.memory_space<vmem>> -> memref<1x98304xf32, #tpu.memory_space<vmem>>
      %dma_start3A_211 = tpu.memref_squeeze %dma_start3A_210 : memref<1x98304xf32, #tpu.memory_space<vmem>> -> memref<98304xf32, #tpu.memory_space<vmem>>
      %dma_start3A_212 = arith.constant 393216 : i32
      %dma_start3A_213 = tpu.memref_slice %arg1[%arg0, %dma_start3A_212] : memref<16x786432xf32, #tpu.memory_space<any>> -> memref<1x98304xf32, #tpu.memory_space<any>>
      %dma_start3A_214 = tpu.memref_squeeze %dma_start3A_213 : memref<1x98304xf32, #tpu.memory_space<any>> -> memref<98304xf32, #tpu.memory_space<any>>
      tpu.enqueue_dma source(%dma_start3A_214 : memref<98304xf32, #tpu.memory_space<any>>) target(%dma_start3A_211 : memref<98304xf32, #tpu.memory_space<vmem>>) target_semaphore(%dma_start3A_208 : memref<!tpu.dma_semaphore, #tpu.memory_space<semaphore_mem>>)
      %dma_start3A_215 = arith.constant 5 : i32
      %dma_start3A_216 = tpu.memref_slice %arg5[%rem3A_0, %dma_start3A_215] : memref<2x8x!tpu.dma_semaphore, #tpu.memory_space<semaphore_mem>> -> memref<1x1x!tpu.dma_semaphore, #tpu.memory_space<semaphore_mem>>
      %dma_start3A_217 = tpu.memref_squeeze %dma_start3A_216 : memref<1x1x!tpu.dma_semaphore, #tpu.memory_space<semaphore_mem>> -> memref<!tpu.dma_semaphore, #tpu.memory_space<semaphore_mem>>
      %dma_start3A_218 = arith.constant 491520 : i32
      %dma_start3A_219 = tpu.memref_slice %arg3[%rem3A_0, %dma_start3A_218] : memref<2x786432xf32, #tpu.memory_space<vmem>> -> memref<1x98304xf32, #tpu.memory_space<vmem>>
      %dma_start3A_220 = tpu.memref_squeeze %dma_start3A_219 : memref<1x98304xf32, #tpu.memory_space<vmem>> -> memref<98304xf32, #tpu.memory_space<vmem>>
      %dma_start3A_221 = arith.constant 491520 : i32
      %dma_start3A_222 = tpu.memref_slice %arg1[%arg0, %dma_start3A_221] : memref<16x786432xf32, #tpu.memory_space<any>> -> memref<1x98304xf32, #tpu.memory_space<any>>
      %dma_start3A_223 = tpu.memref_squeeze %dma_start3A_222 : memref<1x98304xf32, #tpu.memory_space<any>> -> memref<98304xf32, #tpu.memory_space<any>>
      tpu.enqueue_dma source(%dma_start3A_223 : memref<98304xf32, #tpu.memory_space<any>>) target(%dma_start3A_220 : memref<98304xf32, #tpu.memory_space<vmem>>) target_semaphore(%dma_start3A_217 : memref<!tpu.dma_semaphore, #tpu.memory_space<semaphore_mem>>)
      %dma_start3A_224 = arith.constant 6 : i32
      %dma_start3A_225 = tpu.memref_slice %arg5[%rem3A_0, %dma_start3A_224] : memref<2x8x!tpu.dma_semaphore, #tpu.memory_space<semaphore_mem>> -> memref<1x1x!tpu.dma_semaphore, #tpu.memory_space<semaphore_mem>>
      %dma_start3A_226 = tpu.memref_squeeze %dma_start3A_225 : memref<1x1x!tpu.dma_semaphore, #tpu.memory_space<semaphore_mem>> -> memref<!tpu.dma_semaphore, #tpu.memory_space<semaphore_mem>>
      %dma_start3A_227 = arith.constant 589824 : i32
      %dma_start3A_228 = tpu.memref_slice %arg3[%rem3A_0, %dma_start3A_227] : memref<2x786432xf32, #tpu.memory_space<vmem>> -> memref<1x98304xf32, #tpu.memory_space<vmem>>
      %dma_start3A_229 = tpu.memref_squeeze %dma_start3A_228 : memref<1x98304xf32, #tpu.memory_space<vmem>> -> memref<98304xf32, #tpu.memory_space<vmem>>
      %dma_start3A_230 = arith.constant 589824 : i32
      %dma_start3A_231 = tpu.memref_slice %arg1[%arg0, %dma_start3A_230] : memref<16x786432xf32, #tpu.memory_space<any>> -> memref<1x98304xf32, #tpu.memory_space<any>>
      %dma_start3A_232 = tpu.memref_squeeze %dma_start3A_231 : memref<1x98304xf32, #tpu.memory_space<any>> -> memref<98304xf32, #tpu.memory_space<any>>
      tpu.enqueue_dma source(%dma_start3A_232 : memref<98304xf32, #tpu.memory_space<any>>) target(%dma_start3A_229 : memref<98304xf32, #tpu.memory_space<vmem>>) target_semaphore(%dma_start3A_226 : memref<!tpu.dma_semaphore, #tpu.memory_space<semaphore_mem>>)
      %dma_start3A_233 = arith.constant 7 : i32
      %dma_start3A_234 = tpu.memref_slice %arg5[%rem3A_0, %dma_start3A_233] : memref<2x8x!tpu.dma_semaphore, #tpu.memory_space<semaphore_mem>> -> memref<1x1x!tpu.dma_semaphore, #tpu.memory_space<semaphore_mem>>
      %dma_start3A_235 = tpu.memref_squeeze %dma_start3A_234 : memref<1x1x!tpu.dma_semaphore, #tpu.memory_space<semaphore_mem>> -> memref<!tpu.dma_semaphore, #tpu.memory_space<semaphore_mem>>
      %dma_start3A_236 = arith.constant 688128 : i32
      %dma_start3A_237 = tpu.memref_slice %arg3[%rem3A_0, %dma_start3A_236] : memref<2x786432xf32, #tpu.memory_space<vmem>> -> memref<1x98304xf32, #tpu.memory_space<vmem>>
      %dma_start3A_238 = tpu.memref_squeeze %dma_start3A_237 : memref<1x98304xf32, #tpu.memory_space<vmem>> -> memref<98304xf32, #tpu.memory_space<vmem>>
      %dma_start3A_239 = arith.constant 688128 : i32
      %dma_start3A_240 = tpu.memref_slice %arg1[%arg0, %dma_start3A_239] : memref<16x786432xf32, #tpu.memory_space<any>> -> memref<1x98304xf32, #tpu.memory_space<any>>
      %dma_start3A_241 = tpu.memref_squeeze %dma_start3A_240 : memref<1x98304xf32, #tpu.memory_space<any>> -> memref<98304xf32, #tpu.memory_space<any>>
      tpu.enqueue_dma source(%dma_start3A_241 : memref<98304xf32, #tpu.memory_space<any>>) target(%dma_start3A_238 : memref<98304xf32, #tpu.memory_space<vmem>>) target_semaphore(%dma_start3A_235 : memref<!tpu.dma_semaphore, #tpu.memory_space<semaphore_mem>>)
    } else {
    }
    %add3A_6 = arith.constant 1 : i32
    %add3A_7 = arith.addi %arg0, %add3A_6 : i32
    %lt3A = arith.constant 16 : i32
    %lt3A_8 = arith.cmpi slt, %add3A_7, %lt3A : i32
    %convert_element_type3A_9 = arith.extui %lt3A_8 : i1 to i32
    %cond3A_10 = arith.constant 0 : i32
    %cond3A_11 = arith.cmpi ne, %convert_element_type3A_9, %cond3A_10 : i32
    scf.if %cond3A_11 {
      %add3A_170 = arith.constant 1 : i32
      %add3A_171 = arith.addi %arg0, %add3A_170 : i32
      %dma_start3A_172 = arith.constant 0 : i32
      %dma_start3A_173 = tpu.memref_slice %arg5[%rem3A_3, %dma_start3A_172] : memref<2x8x!tpu.dma_semaphore, #tpu.memory_space<semaphore_mem>> -> memref<1x1x!tpu.dma_semaphore, #tpu.memory_space<semaphore_mem>>
      %dma_start3A_174 = tpu.memref_squeeze %dma_start3A_173 : memref<1x1x!tpu.dma_semaphore, #tpu.memory_space<semaphore_mem>> -> memref<!tpu.dma_semaphore, #tpu.memory_space<semaphore_mem>>
      %dma_start3A_175 = arith.constant 0 : i32
      %dma_start3A_176 = tpu.memref_slice %arg3[%rem3A_3, %dma_start3A_175] : memref<2x786432xf32, #tpu.memory_space<vmem>> -> memref<1x98304xf32, #tpu.memory_space<vmem>>
      %dma_start3A_177 = tpu.memref_squeeze %dma_start3A_176 : memref<1x98304xf32, #tpu.memory_space<vmem>> -> memref<98304xf32, #tpu.memory_space<vmem>>
      %dma_start3A_178 = arith.constant 0 : i32
      %dma_start3A_179 = tpu.memref_slice %arg1[%add3A_171, %dma_start3A_178] : memref<16x786432xf32, #tpu.memory_space<any>> -> memref<1x98304xf32, #tpu.memory_space<any>>
      %dma_start3A_180 = tpu.memref_squeeze %dma_start3A_179 : memref<1x98304xf32, #tpu.memory_space<any>> -> memref<98304xf32, #tpu.memory_space<any>>
      tpu.enqueue_dma source(%dma_start3A_180 : memref<98304xf32, #tpu.memory_space<any>>) target(%dma_start3A_177 : memref<98304xf32, #tpu.memory_space<vmem>>) target_semaphore(%dma_start3A_174 : memref<!tpu.dma_semaphore, #tpu.memory_space<semaphore_mem>>)
      %add3A_181 = arith.constant 1 : i32
      %add3A_182 = arith.addi %arg0, %add3A_181 : i32
      %dma_start3A_183 = arith.constant 1 : i32
      %dma_start3A_184 = tpu.memref_slice %arg5[%rem3A_3, %dma_start3A_183] : memref<2x8x!tpu.dma_semaphore, #tpu.memory_space<semaphore_mem>> -> memref<1x1x!tpu.dma_semaphore, #tpu.memory_space<semaphore_mem>>
      %dma_start3A_185 = tpu.memref_squeeze %dma_start3A_184 : memref<1x1x!tpu.dma_semaphore, #tpu.memory_space<semaphore_mem>> -> memref<!tpu.dma_semaphore, #tpu.memory_space<semaphore_mem>>
      %dma_start3A_186 = arith.constant 98304 : i32
      %dma_start3A_187 = tpu.memref_slice %arg3[%rem3A_3, %dma_start3A_186] : memref<2x786432xf32, #tpu.memory_space<vmem>> -> memref<1x98304xf32, #tpu.memory_space<vmem>>
      %dma_start3A_188 = tpu.memref_squeeze %dma_start3A_187 : memref<1x98304xf32, #tpu.memory_space<vmem>> -> memref<98304xf32, #tpu.memory_space<vmem>>
      %dma_start3A_189 = arith.constant 98304 : i32
      %dma_start3A_190 = tpu.memref_slice %arg1[%add3A_182, %dma_start3A_189] : memref<16x786432xf32, #tpu.memory_space<any>> -> memref<1x98304xf32, #tpu.memory_space<any>>
      %dma_start3A_191 = tpu.memref_squeeze %dma_start3A_190 : memref<1x98304xf32, #tpu.memory_space<any>> -> memref<98304xf32, #tpu.memory_space<any>>
      tpu.enqueue_dma source(%dma_start3A_191 : memref<98304xf32, #tpu.memory_space<any>>) target(%dma_start3A_188 : memref<98304xf32, #tpu.memory_space<vmem>>) target_semaphore(%dma_start3A_185 : memref<!tpu.dma_semaphore, #tpu.memory_space<semaphore_mem>>)
      %add3A_192 = arith.constant 1 : i32
      %add3A_193 = arith.addi %arg0, %add3A_192 : i32
      %dma_start3A_194 = arith.constant 2 : i32
      %dma_start3A_195 = tpu.memref_slice %arg5[%rem3A_3, %dma_start3A_194] : memref<2x8x!tpu.dma_semaphore, #tpu.memory_space<semaphore_mem>> -> memref<1x1x!tpu.dma_semaphore, #tpu.memory_space<semaphore_mem>>
      %dma_start3A_196 = tpu.memref_squeeze %dma_start3A_195 : memref<1x1x!tpu.dma_semaphore, #tpu.memory_space<semaphore_mem>> -> memref<!tpu.dma_semaphore, #tpu.memory_space<semaphore_mem>>
      %dma_start3A_197 = arith.constant 196608 : i32
      %dma_start3A_198 = tpu.memref_slice %arg3[%rem3A_3, %dma_start3A_197] : memref<2x786432xf32, #tpu.memory_space<vmem>> -> memref<1x98304xf32, #tpu.memory_space<vmem>>
      %dma_start3A_199 = tpu.memref_squeeze %dma_start3A_198 : memref<1x98304xf32, #tpu.memory_space<vmem>> -> memref<98304xf32, #tpu.memory_space<vmem>>
      %dma_start3A_200 = arith.constant 196608 : i32
      %dma_start3A_201 = tpu.memref_slice %arg1[%add3A_193, %dma_start3A_200] : memref<16x786432xf32, #tpu.memory_space<any>> -> memref<1x98304xf32, #tpu.memory_space<any>>
      %dma_start3A_202 = tpu.memref_squeeze %dma_start3A_201 : memref<1x98304xf32, #tpu.memory_space<any>> -> memref<98304xf32, #tpu.memory_space<any>>
      tpu.enqueue_dma source(%dma_start3A_202 : memref<98304xf32, #tpu.memory_space<any>>) target(%dma_start3A_199 : memref<98304xf32, #tpu.memory_space<vmem>>) target_semaphore(%dma_start3A_196 : memref<!tpu.dma_semaphore, #tpu.memory_space<semaphore_mem>>)
      %add3A_203 = arith.constant 1 : i32
      %add3A_204 = arith.addi %arg0, %add3A_203 : i32
      %dma_start3A_205 = arith.constant 3 : i32
      %dma_start3A_206 = tpu.memref_slice %arg5[%rem3A_3, %dma_start3A_205] : memref<2x8x!tpu.dma_semaphore, #tpu.memory_space<semaphore_mem>> -> memref<1x1x!tpu.dma_semaphore, #tpu.memory_space<semaphore_mem>>
      %dma_start3A_207 = tpu.memref_squeeze %dma_start3A_206 : memref<1x1x!tpu.dma_semaphore, #tpu.memory_space<semaphore_mem>> -> memref<!tpu.dma_semaphore, #tpu.memory_space<semaphore_mem>>
      %dma_start3A_208 = arith.constant 294912 : i32
      %dma_start3A_209 = tpu.memref_slice %arg3[%rem3A_3, %dma_start3A_208] : memref<2x786432xf32, #tpu.memory_space<vmem>> -> memref<1x98304xf32, #tpu.memory_space<vmem>>
      %dma_start3A_210 = tpu.memref_squeeze %dma_start3A_209 : memref<1x98304xf32, #tpu.memory_space<vmem>> -> memref<98304xf32, #tpu.memory_space<vmem>>
      %dma_start3A_211 = arith.constant 294912 : i32
      %dma_start3A_212 = tpu.memref_slice %arg1[%add3A_204, %dma_start3A_211] : memref<16x786432xf32, #tpu.memory_space<any>> -> memref<1x98304xf32, #tpu.memory_space<any>>
      %dma_start3A_213 = tpu.memref_squeeze %dma_start3A_212 : memref<1x98304xf32, #tpu.memory_space<any>> -> memref<98304xf32, #tpu.memory_space<any>>
      tpu.enqueue_dma source(%dma_start3A_213 : memref<98304xf32, #tpu.memory_space<any>>) target(%dma_start3A_210 : memref<98304xf32, #tpu.memory_space<vmem>>) target_semaphore(%dma_start3A_207 : memref<!tpu.dma_semaphore, #tpu.memory_space<semaphore_mem>>)
      %add3A_214 = arith.constant 1 : i32
      %add3A_215 = arith.addi %arg0, %add3A_214 : i32
      %dma_start3A_216 = arith.constant 4 : i32
      %dma_start3A_217 = tpu.memref_slice %arg5[%rem3A_3, %dma_start3A_216] : memref<2x8x!tpu.dma_semaphore, #tpu.memory_space<semaphore_mem>> -> memref<1x1x!tpu.dma_semaphore, #tpu.memory_space<semaphore_mem>>
      %dma_start3A_218 = tpu.memref_squeeze %dma_start3A_217 : memref<1x1x!tpu.dma_semaphore, #tpu.memory_space<semaphore_mem>> -> memref<!tpu.dma_semaphore, #tpu.memory_space<semaphore_mem>>
      %dma_start3A_219 = arith.constant 393216 : i32
      %dma_start3A_220 = tpu.memref_slice %arg3[%rem3A_3, %dma_start3A_219] : memref<2x786432xf32, #tpu.memory_space<vmem>> -> memref<1x98304xf32, #tpu.memory_space<vmem>>
      %dma_start3A_221 = tpu.memref_squeeze %dma_start3A_220 : memref<1x98304xf32, #tpu.memory_space<vmem>> -> memref<98304xf32, #tpu.memory_space<vmem>>
      %dma_start3A_222 = arith.constant 393216 : i32
      %dma_start3A_223 = tpu.memref_slice %arg1[%add3A_215, %dma_start3A_222] : memref<16x786432xf32, #tpu.memory_space<any>> -> memref<1x98304xf32, #tpu.memory_space<any>>
      %dma_start3A_224 = tpu.memref_squeeze %dma_start3A_223 : memref<1x98304xf32, #tpu.memory_space<any>> -> memref<98304xf32, #tpu.memory_space<any>>
      tpu.enqueue_dma source(%dma_start3A_224 : memref<98304xf32, #tpu.memory_space<any>>) target(%dma_start3A_221 : memref<98304xf32, #tpu.memory_space<vmem>>) target_semaphore(%dma_start3A_218 : memref<!tpu.dma_semaphore, #tpu.memory_space<semaphore_mem>>)
      %add3A_225 = arith.constant 1 : i32
      %add3A_226 = arith.addi %arg0, %add3A_225 : i32
      %dma_start3A_227 = arith.constant 5 : i32
      %dma_start3A_228 = tpu.memref_slice %arg5[%rem3A_3, %dma_start3A_227] : memref<2x8x!tpu.dma_semaphore, #tpu.memory_space<semaphore_mem>> -> memref<1x1x!tpu.dma_semaphore, #tpu.memory_space<semaphore_mem>>
      %dma_start3A_229 = tpu.memref_squeeze %dma_start3A_228 : memref<1x1x!tpu.dma_semaphore, #tpu.memory_space<semaphore_mem>> -> memref<!tpu.dma_semaphore, #tpu.memory_space<semaphore_mem>>
      %dma_start3A_230 = arith.constant 491520 : i32
      %dma_start3A_231 = tpu.memref_slice %arg3[%rem3A_3, %dma_start3A_230] : memref<2x786432xf32, #tpu.memory_space<vmem>> -> memref<1x98304xf32, #tpu.memory_space<vmem>>
      %dma_start3A_232 = tpu.memref_squeeze %dma_start3A_231 : memref<1x98304xf32, #tpu.memory_space<vmem>> -> memref<98304xf32, #tpu.memory_space<vmem>>
      %dma_start3A_233 = arith.constant 491520 : i32
      %dma_start3A_234 = tpu.memref_slice %arg1[%add3A_226, %dma_start3A_233] : memref<16x786432xf32, #tpu.memory_space<any>> -> memref<1x98304xf32, #tpu.memory_space<any>>
      %dma_start3A_235 = tpu.memref_squeeze %dma_start3A_234 : memref<1x98304xf32, #tpu.memory_space<any>> -> memref<98304xf32, #tpu.memory_space<any>>
      tpu.enqueue_dma source(%dma_start3A_235 : memref<98304xf32, #tpu.memory_space<any>>) target(%dma_start3A_232 : memref<98304xf32, #tpu.memory_space<vmem>>) target_semaphore(%dma_start3A_229 : memref<!tpu.dma_semaphore, #tpu.memory_space<semaphore_mem>>)
      %add3A_236 = arith.constant 1 : i32
      %add3A_237 = arith.addi %arg0, %add3A_236 : i32
      %dma_start3A_238 = arith.constant 6 : i32
      %dma_start3A_239 = tpu.memref_slice %arg5[%rem3A_3, %dma_start3A_238] : memref<2x8x!tpu.dma_semaphore, #tpu.memory_space<semaphore_mem>> -> memref<1x1x!tpu.dma_semaphore, #tpu.memory_space<semaphore_mem>>
      %dma_start3A_240 = tpu.memref_squeeze %dma_start3A_239 : memref<1x1x!tpu.dma_semaphore, #tpu.memory_space<semaphore_mem>> -> memref<!tpu.dma_semaphore, #tpu.memory_space<semaphore_mem>>
      %dma_start3A_241 = arith.constant 589824 : i32
      %dma_start3A_242 = tpu.memref_slice %arg3[%rem3A_3, %dma_start3A_241] : memref<2x786432xf32, #tpu.memory_space<vmem>> -> memref<1x98304xf32, #tpu.memory_space<vmem>>
      %dma_start3A_243 = tpu.memref_squeeze %dma_start3A_242 : memref<1x98304xf32, #tpu.memory_space<vmem>> -> memref<98304xf32, #tpu.memory_space<vmem>>
      %dma_start3A_244 = arith.constant 589824 : i32
      %dma_start3A_245 = tpu.memref_slice %arg1[%add3A_237, %dma_start3A_244] : memref<16x786432xf32, #tpu.memory_space<any>> -> memref<1x98304xf32, #tpu.memory_space<any>>
      %dma_start3A_246 = tpu.memref_squeeze %dma_start3A_245 : memref<1x98304xf32, #tpu.memory_space<any>> -> memref<98304xf32, #tpu.memory_space<any>>
      tpu.enqueue_dma source(%dma_start3A_246 : memref<98304xf32, #tpu.memory_space<any>>) target(%dma_start3A_243 : memref<98304xf32, #tpu.memory_space<vmem>>) target_semaphore(%dma_start3A_240 : memref<!tpu.dma_semaphore, #tpu.memory_space<semaphore_mem>>)
      %add3A_247 = arith.constant 1 : i32
      %add3A_248 = arith.addi %arg0, %add3A_247 : i32
      %dma_start3A_249 = arith.constant 7 : i32
      %dma_start3A_250 = tpu.memref_slice %arg5[%rem3A_3, %dma_start3A_249] : memref<2x8x!tpu.dma_semaphore, #tpu.memory_space<semaphore_mem>> -> memref<1x1x!tpu.dma_semaphore, #tpu.memory_space<semaphore_mem>>
      %dma_start3A_251 = tpu.memref_squeeze %dma_start3A_250 : memref<1x1x!tpu.dma_semaphore, #tpu.memory_space<semaphore_mem>> -> memref<!tpu.dma_semaphore, #tpu.memory_space<semaphore_mem>>
      %dma_start3A_252 = arith.constant 688128 : i32
      %dma_start3A_253 = tpu.memref_slice %arg3[%rem3A_3, %dma_start3A_252] : memref<2x786432xf32, #tpu.memory_space<vmem>> -> memref<1x98304xf32, #tpu.memory_space<vmem>>
      %dma_start3A_254 = tpu.memref_squeeze %dma_start3A_253 : memref<1x98304xf32, #tpu.memory_space<vmem>> -> memref<98304xf32, #tpu.memory_space<vmem>>
      %dma_start3A_255 = arith.constant 688128 : i32
      %dma_start3A_256 = tpu.memref_slice %arg1[%add3A_248, %dma_start3A_255] : memref<16x786432xf32, #tpu.memory_space<any>> -> memref<1x98304xf32, #tpu.memory_space<any>>
      %dma_start3A_257 = tpu.memref_squeeze %dma_start3A_256 : memref<1x98304xf32, #tpu.memory_space<any>> -> memref<98304xf32, #tpu.memory_space<any>>
      tpu.enqueue_dma source(%dma_start3A_257 : memref<98304xf32, #tpu.memory_space<any>>) target(%dma_start3A_254 : memref<98304xf32, #tpu.memory_space<vmem>>) target_semaphore(%dma_start3A_251 : memref<!tpu.dma_semaphore, #tpu.memory_space<semaphore_mem>>)
    } else {
    }
    %dma_wait3A = arith.constant 0 : i32
    %dma_wait3A_12 = tpu.memref_slice %arg5[%rem3A_0, %dma_wait3A] : memref<2x8x!tpu.dma_semaphore, #tpu.memory_space<semaphore_mem>> -> memref<1x1x!tpu.dma_semaphore, #tpu.memory_space<semaphore_mem>>
    %dma_wait3A_13 = tpu.memref_squeeze %dma_wait3A_12 : memref<1x1x!tpu.dma_semaphore, #tpu.memory_space<semaphore_mem>> -> memref<!tpu.dma_semaphore, #tpu.memory_space<semaphore_mem>>
    %dma_wait3A_14 = arith.constant 0 : i32
    %dma_wait3A_15 = tpu.memref_slice %arg3[%rem3A_0, %dma_wait3A_14] : memref<2x786432xf32, #tpu.memory_space<vmem>> -> memref<1x98304xf32, #tpu.memory_space<vmem>>
    %dma_wait3A_16 = tpu.memref_squeeze %dma_wait3A_15 : memref<1x98304xf32, #tpu.memory_space<vmem>> -> memref<98304xf32, #tpu.memory_space<vmem>>
    %dma_wait3A_17 = arith.constant 0 : i32
    %dma_wait3A_18 = tpu.memref_slice %arg1[%arg0, %dma_wait3A_17] : memref<16x786432xf32, #tpu.memory_space<any>> -> memref<1x98304xf32, #tpu.memory_space<any>>
    %dma_wait3A_19 = tpu.memref_squeeze %dma_wait3A_18 : memref<1x98304xf32, #tpu.memory_space<any>> -> memref<98304xf32, #tpu.memory_space<any>>
    tpu.wait_dma2 semaphore(%dma_wait3A_13 : memref<!tpu.dma_semaphore, #tpu.memory_space<semaphore_mem>>) src(%dma_wait3A_19 : memref<98304xf32, #tpu.memory_space<any>>) dst(%dma_wait3A_16 : memref<98304xf32, #tpu.memory_space<vmem>>)
    %dma_wait3A_20 = arith.constant 1 : i32
    %dma_wait3A_21 = tpu.memref_slice %arg5[%rem3A_0, %dma_wait3A_20] : memref<2x8x!tpu.dma_semaphore, #tpu.memory_space<semaphore_mem>> -> memref<1x1x!tpu.dma_semaphore, #tpu.memory_space<semaphore_mem>>
    %dma_wait3A_22 = tpu.memref_squeeze %dma_wait3A_21 : memref<1x1x!tpu.dma_semaphore, #tpu.memory_space<semaphore_mem>> -> memref<!tpu.dma_semaphore, #tpu.memory_space<semaphore_mem>>
    %dma_wait3A_23 = arith.constant 98304 : i32
    %dma_wait3A_24 = tpu.memref_slice %arg3[%rem3A_0, %dma_wait3A_23] : memref<2x786432xf32, #tpu.memory_space<vmem>> -> memref<1x98304xf32, #tpu.memory_space<vmem>>
    %dma_wait3A_25 = tpu.memref_squeeze %dma_wait3A_24 : memref<1x98304xf32, #tpu.memory_space<vmem>> -> memref<98304xf32, #tpu.memory_space<vmem>>
    %dma_wait3A_26 = arith.constant 98304 : i32
    %dma_wait3A_27 = tpu.memref_slice %arg1[%arg0, %dma_wait3A_26] : memref<16x786432xf32, #tpu.memory_space<any>> -> memref<1x98304xf32, #tpu.memory_space<any>>
    %dma_wait3A_28 = tpu.memref_squeeze %dma_wait3A_27 : memref<1x98304xf32, #tpu.memory_space<any>> -> memref<98304xf32, #tpu.memory_space<any>>
    tpu.wait_dma2 semaphore(%dma_wait3A_22 : memref<!tpu.dma_semaphore, #tpu.memory_space<semaphore_mem>>) src(%dma_wait3A_28 : memref<98304xf32, #tpu.memory_space<any>>) dst(%dma_wait3A_25 : memref<98304xf32, #tpu.memory_space<vmem>>)
    %dma_wait3A_29 = arith.constant 2 : i32
    %dma_wait3A_30 = tpu.memref_slice %arg5[%rem3A_0, %dma_wait3A_29] : memref<2x8x!tpu.dma_semaphore, #tpu.memory_space<semaphore_mem>> -> memref<1x1x!tpu.dma_semaphore, #tpu.memory_space<semaphore_mem>>
    %dma_wait3A_31 = tpu.memref_squeeze %dma_wait3A_30 : memref<1x1x!tpu.dma_semaphore, #tpu.memory_space<semaphore_mem>> -> memref<!tpu.dma_semaphore, #tpu.memory_space<semaphore_mem>>
    %dma_wait3A_32 = arith.constant 196608 : i32
    %dma_wait3A_33 = tpu.memref_slice %arg3[%rem3A_0, %dma_wait3A_32] : memref<2x786432xf32, #tpu.memory_space<vmem>> -> memref<1x98304xf32, #tpu.memory_space<vmem>>
    %dma_wait3A_34 = tpu.memref_squeeze %dma_wait3A_33 : memref<1x98304xf32, #tpu.memory_space<vmem>> -> memref<98304xf32, #tpu.memory_space<vmem>>
    %dma_wait3A_35 = arith.constant 196608 : i32
    %dma_wait3A_36 = tpu.memref_slice %arg1[%arg0, %dma_wait3A_35] : memref<16x786432xf32, #tpu.memory_space<any>> -> memref<1x98304xf32, #tpu.memory_space<any>>
    %dma_wait3A_37 = tpu.memref_squeeze %dma_wait3A_36 : memref<1x98304xf32, #tpu.memory_space<any>> -> memref<98304xf32, #tpu.memory_space<any>>
    tpu.wait_dma2 semaphore(%dma_wait3A_31 : memref<!tpu.dma_semaphore, #tpu.memory_space<semaphore_mem>>) src(%dma_wait3A_37 : memref<98304xf32, #tpu.memory_space<any>>) dst(%dma_wait3A_34 : memref<98304xf32, #tpu.memory_space<vmem>>)
    %dma_wait3A_38 = arith.constant 3 : i32
    %dma_wait3A_39 = tpu.memref_slice %arg5[%rem3A_0, %dma_wait3A_38] : memref<2x8x!tpu.dma_semaphore, #tpu.memory_space<semaphore_mem>> -> memref<1x1x!tpu.dma_semaphore, #tpu.memory_space<semaphore_mem>>
    %dma_wait3A_40 = tpu.memref_squeeze %dma_wait3A_39 : memref<1x1x!tpu.dma_semaphore, #tpu.memory_space<semaphore_mem>> -> memref<!tpu.dma_semaphore, #tpu.memory_space<semaphore_mem>>
    %dma_wait3A_41 = arith.constant 294912 : i32
    %dma_wait3A_42 = tpu.memref_slice %arg3[%rem3A_0, %dma_wait3A_41] : memref<2x786432xf32, #tpu.memory_space<vmem>> -> memref<1x98304xf32, #tpu.memory_space<vmem>>
    %dma_wait3A_43 = tpu.memref_squeeze %dma_wait3A_42 : memref<1x98304xf32, #tpu.memory_space<vmem>> -> memref<98304xf32, #tpu.memory_space<vmem>>
    %dma_wait3A_44 = arith.constant 294912 : i32
    %dma_wait3A_45 = tpu.memref_slice %arg1[%arg0, %dma_wait3A_44] : memref<16x786432xf32, #tpu.memory_space<any>> -> memref<1x98304xf32, #tpu.memory_space<any>>
    %dma_wait3A_46 = tpu.memref_squeeze %dma_wait3A_45 : memref<1x98304xf32, #tpu.memory_space<any>> -> memref<98304xf32, #tpu.memory_space<any>>
    tpu.wait_dma2 semaphore(%dma_wait3A_40 : memref<!tpu.dma_semaphore, #tpu.memory_space<semaphore_mem>>) src(%dma_wait3A_46 : memref<98304xf32, #tpu.memory_space<any>>) dst(%dma_wait3A_43 : memref<98304xf32, #tpu.memory_space<vmem>>)
    %dma_wait3A_47 = arith.constant 4 : i32
    %dma_wait3A_48 = tpu.memref_slice %arg5[%rem3A_0, %dma_wait3A_47] : memref<2x8x!tpu.dma_semaphore, #tpu.memory_space<semaphore_mem>> -> memref<1x1x!tpu.dma_semaphore, #tpu.memory_space<semaphore_mem>>
    %dma_wait3A_49 = tpu.memref_squeeze %dma_wait3A_48 : memref<1x1x!tpu.dma_semaphore, #tpu.memory_space<semaphore_mem>> -> memref<!tpu.dma_semaphore, #tpu.memory_space<semaphore_mem>>
    %dma_wait3A_50 = arith.constant 393216 : i32
    %dma_wait3A_51 = tpu.memref_slice %arg3[%rem3A_0, %dma_wait3A_50] : memref<2x786432xf32, #tpu.memory_space<vmem>> -> memref<1x98304xf32, #tpu.memory_space<vmem>>
    %dma_wait3A_52 = tpu.memref_squeeze %dma_wait3A_51 : memref<1x98304xf32, #tpu.memory_space<vmem>> -> memref<98304xf32, #tpu.memory_space<vmem>>
    %dma_wait3A_53 = arith.constant 393216 : i32
    %dma_wait3A_54 = tpu.memref_slice %arg1[%arg0, %dma_wait3A_53] : memref<16x786432xf32, #tpu.memory_space<any>> -> memref<1x98304xf32, #tpu.memory_space<any>>
    %dma_wait3A_55 = tpu.memref_squeeze %dma_wait3A_54 : memref<1x98304xf32, #tpu.memory_space<any>> -> memref<98304xf32, #tpu.memory_space<any>>
    tpu.wait_dma2 semaphore(%dma_wait3A_49 : memref<!tpu.dma_semaphore, #tpu.memory_space<semaphore_mem>>) src(%dma_wait3A_55 : memref<98304xf32, #tpu.memory_space<any>>) dst(%dma_wait3A_52 : memref<98304xf32, #tpu.memory_space<vmem>>)
    %dma_wait3A_56 = arith.constant 5 : i32
    %dma_wait3A_57 = tpu.memref_slice %arg5[%rem3A_0, %dma_wait3A_56] : memref<2x8x!tpu.dma_semaphore, #tpu.memory_space<semaphore_mem>> -> memref<1x1x!tpu.dma_semaphore, #tpu.memory_space<semaphore_mem>>
    %dma_wait3A_58 = tpu.memref_squeeze %dma_wait3A_57 : memref<1x1x!tpu.dma_semaphore, #tpu.memory_space<semaphore_mem>> -> memref<!tpu.dma_semaphore, #tpu.memory_space<semaphore_mem>>
    %dma_wait3A_59 = arith.constant 491520 : i32
    %dma_wait3A_60 = tpu.memref_slice %arg3[%rem3A_0, %dma_wait3A_59] : memref<2x786432xf32, #tpu.memory_space<vmem>> -> memref<1x98304xf32, #tpu.memory_space<vmem>>
    %dma_wait3A_61 = tpu.memref_squeeze %dma_wait3A_60 : memref<1x98304xf32, #tpu.memory_space<vmem>> -> memref<98304xf32, #tpu.memory_space<vmem>>
    %dma_wait3A_62 = arith.constant 491520 : i32
    %dma_wait3A_63 = tpu.memref_slice %arg1[%arg0, %dma_wait3A_62] : memref<16x786432xf32, #tpu.memory_space<any>> -> memref<1x98304xf32, #tpu.memory_space<any>>
    %dma_wait3A_64 = tpu.memref_squeeze %dma_wait3A_63 : memref<1x98304xf32, #tpu.memory_space<any>> -> memref<98304xf32, #tpu.memory_space<any>>
    tpu.wait_dma2 semaphore(%dma_wait3A_58 : memref<!tpu.dma_semaphore, #tpu.memory_space<semaphore_mem>>) src(%dma_wait3A_64 : memref<98304xf32, #tpu.memory_space<any>>) dst(%dma_wait3A_61 : memref<98304xf32, #tpu.memory_space<vmem>>)
    %dma_wait3A_65 = arith.constant 6 : i32
    %dma_wait3A_66 = tpu.memref_slice %arg5[%rem3A_0, %dma_wait3A_65] : memref<2x8x!tpu.dma_semaphore, #tpu.memory_space<semaphore_mem>> -> memref<1x1x!tpu.dma_semaphore, #tpu.memory_space<semaphore_mem>>
    %dma_wait3A_67 = tpu.memref_squeeze %dma_wait3A_66 : memref<1x1x!tpu.dma_semaphore, #tpu.memory_space<semaphore_mem>> -> memref<!tpu.dma_semaphore, #tpu.memory_space<semaphore_mem>>
    %dma_wait3A_68 = arith.constant 589824 : i32
    %dma_wait3A_69 = tpu.memref_slice %arg3[%rem3A_0, %dma_wait3A_68] : memref<2x786432xf32, #tpu.memory_space<vmem>> -> memref<1x98304xf32, #tpu.memory_space<vmem>>
    %dma_wait3A_70 = tpu.memref_squeeze %dma_wait3A_69 : memref<1x98304xf32, #tpu.memory_space<vmem>> -> memref<98304xf32, #tpu.memory_space<vmem>>
    %dma_wait3A_71 = arith.constant 589824 : i32
    %dma_wait3A_72 = tpu.memref_slice %arg1[%arg0, %dma_wait3A_71] : memref<16x786432xf32, #tpu.memory_space<any>> -> memref<1x98304xf32, #tpu.memory_space<any>>
    %dma_wait3A_73 = tpu.memref_squeeze %dma_wait3A_72 : memref<1x98304xf32, #tpu.memory_space<any>> -> memref<98304xf32, #tpu.memory_space<any>>
    tpu.wait_dma2 semaphore(%dma_wait3A_67 : memref<!tpu.dma_semaphore, #tpu.memory_space<semaphore_mem>>) src(%dma_wait3A_73 : memref<98304xf32, #tpu.memory_space<any>>) dst(%dma_wait3A_70 : memref<98304xf32, #tpu.memory_space<vmem>>)
    %dma_wait3A_74 = arith.constant 7 : i32
    %dma_wait3A_75 = tpu.memref_slice %arg5[%rem3A_0, %dma_wait3A_74] : memref<2x8x!tpu.dma_semaphore, #tpu.memory_space<semaphore_mem>> -> memref<1x1x!tpu.dma_semaphore, #tpu.memory_space<semaphore_mem>>
    %dma_wait3A_76 = tpu.memref_squeeze %dma_wait3A_75 : memref<1x1x!tpu.dma_semaphore, #tpu.memory_space<semaphore_mem>> -> memref<!tpu.dma_semaphore, #tpu.memory_space<semaphore_mem>>
    %dma_wait3A_77 = arith.constant 688128 : i32
    %dma_wait3A_78 = tpu.memref_slice %arg3[%rem3A_0, %dma_wait3A_77] : memref<2x786432xf32, #tpu.memory_space<vmem>> -> memref<1x98304xf32, #tpu.memory_space<vmem>>
    %dma_wait3A_79 = tpu.memref_squeeze %dma_wait3A_78 : memref<1x98304xf32, #tpu.memory_space<vmem>> -> memref<98304xf32, #tpu.memory_space<vmem>>
    %dma_wait3A_80 = arith.constant 688128 : i32
    %dma_wait3A_81 = tpu.memref_slice %arg1[%arg0, %dma_wait3A_80] : memref<16x786432xf32, #tpu.memory_space<any>> -> memref<1x98304xf32, #tpu.memory_space<any>>
    %dma_wait3A_82 = tpu.memref_squeeze %dma_wait3A_81 : memref<1x98304xf32, #tpu.memory_space<any>> -> memref<98304xf32, #tpu.memory_space<any>>
    tpu.wait_dma2 semaphore(%dma_wait3A_76 : memref<!tpu.dma_semaphore, #tpu.memory_space<semaphore_mem>>) src(%dma_wait3A_82 : memref<98304xf32, #tpu.memory_space<any>>) dst(%dma_wait3A_79 : memref<98304xf32, #tpu.memory_space<vmem>>)
    %ge3A = arith.constant 2 : i32
    %ge3A_83 = arith.cmpi sge, %arg0, %ge3A : i32
    %convert_element_type3A_84 = arith.extui %ge3A_83 : i1 to i32
    %cond3A_85 = arith.constant 0 : i32
    %cond3A_86 = arith.cmpi ne, %convert_element_type3A_84, %cond3A_85 : i32
    scf.if %cond3A_86 {
      %sub3A = arith.constant 2 : i32
      %sub3A_170 = arith.subi %arg0, %sub3A : i32
      %dma_wait3A_171 = arith.constant 0 : i32
      %dma_wait3A_172 = tpu.memref_slice %arg6[%rem3A_0, %dma_wait3A_171] : memref<2x8x!tpu.dma_semaphore, #tpu.memory_space<semaphore_mem>> -> memref<1x1x!tpu.dma_semaphore, #tpu.memory_space<semaphore_mem>>
      %dma_wait3A_173 = tpu.memref_squeeze %dma_wait3A_172 : memref<1x1x!tpu.dma_semaphore, #tpu.memory_space<semaphore_mem>> -> memref<!tpu.dma_semaphore, #tpu.memory_space<semaphore_mem>>
      %dma_wait3A_174 = arith.constant 0 : i32
      %dma_wait3A_175 = tpu.memref_slice %arg2[%sub3A_170, %dma_wait3A_174] : memref<16x786432xf32, #tpu.memory_space<any>> -> memref<1x98304xf32, #tpu.memory_space<any>>
      %dma_wait3A_176 = tpu.memref_squeeze %dma_wait3A_175 : memref<1x98304xf32, #tpu.memory_space<any>> -> memref<98304xf32, #tpu.memory_space<any>>
      %dma_wait3A_177 = arith.constant 0 : i32
      %dma_wait3A_178 = tpu.memref_slice %arg4[%rem3A_0, %dma_wait3A_177] : memref<2x786432xf32, #tpu.memory_space<vmem>> -> memref<1x98304xf32, #tpu.memory_space<vmem>>
      %dma_wait3A_179 = tpu.memref_squeeze %dma_wait3A_178 : memref<1x98304xf32, #tpu.memory_space<vmem>> -> memref<98304xf32, #tpu.memory_space<vmem>>
      tpu.wait_dma2 semaphore(%dma_wait3A_173 : memref<!tpu.dma_semaphore, #tpu.memory_space<semaphore_mem>>) src(%dma_wait3A_179 : memref<98304xf32, #tpu.memory_space<vmem>>) dst(%dma_wait3A_176 : memref<98304xf32, #tpu.memory_space<any>>)
      %sub3A_180 = arith.constant 2 : i32
      %sub3A_181 = arith.subi %arg0, %sub3A_180 : i32
      %dma_wait3A_182 = arith.constant 1 : i32
      %dma_wait3A_183 = tpu.memref_slice %arg6[%rem3A_0, %dma_wait3A_182] : memref<2x8x!tpu.dma_semaphore, #tpu.memory_space<semaphore_mem>> -> memref<1x1x!tpu.dma_semaphore, #tpu.memory_space<semaphore_mem>>
      %dma_wait3A_184 = tpu.memref_squeeze %dma_wait3A_183 : memref<1x1x!tpu.dma_semaphore, #tpu.memory_space<semaphore_mem>> -> memref<!tpu.dma_semaphore, #tpu.memory_space<semaphore_mem>>
      %dma_wait3A_185 = arith.constant 98304 : i32
      %dma_wait3A_186 = tpu.memref_slice %arg2[%sub3A_181, %dma_wait3A_185] : memref<16x786432xf32, #tpu.memory_space<any>> -> memref<1x98304xf32, #tpu.memory_space<any>>
      %dma_wait3A_187 = tpu.memref_squeeze %dma_wait3A_186 : memref<1x98304xf32, #tpu.memory_space<any>> -> memref<98304xf32, #tpu.memory_space<any>>
      %dma_wait3A_188 = arith.constant 98304 : i32
      %dma_wait3A_189 = tpu.memref_slice %arg4[%rem3A_0, %dma_wait3A_188] : memref<2x786432xf32, #tpu.memory_space<vmem>> -> memref<1x98304xf32, #tpu.memory_space<vmem>>
      %dma_wait3A_190 = tpu.memref_squeeze %dma_wait3A_189 : memref<1x98304xf32, #tpu.memory_space<vmem>> -> memref<98304xf32, #tpu.memory_space<vmem>>
      tpu.wait_dma2 semaphore(%dma_wait3A_184 : memref<!tpu.dma_semaphore, #tpu.memory_space<semaphore_mem>>) src(%dma_wait3A_190 : memref<98304xf32, #tpu.memory_space<vmem>>) dst(%dma_wait3A_187 : memref<98304xf32, #tpu.memory_space<any>>)
      %sub3A_191 = arith.constant 2 : i32
      %sub3A_192 = arith.subi %arg0, %sub3A_191 : i32
      %dma_wait3A_193 = arith.constant 2 : i32
      %dma_wait3A_194 = tpu.memref_slice %arg6[%rem3A_0, %dma_wait3A_193] : memref<2x8x!tpu.dma_semaphore, #tpu.memory_space<semaphore_mem>> -> memref<1x1x!tpu.dma_semaphore, #tpu.memory_space<semaphore_mem>>
      %dma_wait3A_195 = tpu.memref_squeeze %dma_wait3A_194 : memref<1x1x!tpu.dma_semaphore, #tpu.memory_space<semaphore_mem>> -> memref<!tpu.dma_semaphore, #tpu.memory_space<semaphore_mem>>
      %dma_wait3A_196 = arith.constant 196608 : i32
      %dma_wait3A_197 = tpu.memref_slice %arg2[%sub3A_192, %dma_wait3A_196] : memref<16x786432xf32, #tpu.memory_space<any>> -> memref<1x98304xf32, #tpu.memory_space<any>>
      %dma_wait3A_198 = tpu.memref_squeeze %dma_wait3A_197 : memref<1x98304xf32, #tpu.memory_space<any>> -> memref<98304xf32, #tpu.memory_space<any>>
      %dma_wait3A_199 = arith.constant 196608 : i32
      %dma_wait3A_200 = tpu.memref_slice %arg4[%rem3A_0, %dma_wait3A_199] : memref<2x786432xf32, #tpu.memory_space<vmem>> -> memref<1x98304xf32, #tpu.memory_space<vmem>>
      %dma_wait3A_201 = tpu.memref_squeeze %dma_wait3A_200 : memref<1x98304xf32, #tpu.memory_space<vmem>> -> memref<98304xf32, #tpu.memory_space<vmem>>
      tpu.wait_dma2 semaphore(%dma_wait3A_195 : memref<!tpu.dma_semaphore, #tpu.memory_space<semaphore_mem>>) src(%dma_wait3A_201 : memref<98304xf32, #tpu.memory_space<vmem>>) dst(%dma_wait3A_198 : memref<98304xf32, #tpu.memory_space<any>>)
      %sub3A_202 = arith.constant 2 : i32
      %sub3A_203 = arith.subi %arg0, %sub3A_202 : i32
      %dma_wait3A_204 = arith.constant 3 : i32
      %dma_wait3A_205 = tpu.memref_slice %arg6[%rem3A_0, %dma_wait3A_204] : memref<2x8x!tpu.dma_semaphore, #tpu.memory_space<semaphore_mem>> -> memref<1x1x!tpu.dma_semaphore, #tpu.memory_space<semaphore_mem>>
      %dma_wait3A_206 = tpu.memref_squeeze %dma_wait3A_205 : memref<1x1x!tpu.dma_semaphore, #tpu.memory_space<semaphore_mem>> -> memref<!tpu.dma_semaphore, #tpu.memory_space<semaphore_mem>>
      %dma_wait3A_207 = arith.constant 294912 : i32
      %dma_wait3A_208 = tpu.memref_slice %arg2[%sub3A_203, %dma_wait3A_207] : memref<16x786432xf32, #tpu.memory_space<any>> -> memref<1x98304xf32, #tpu.memory_space<any>>
      %dma_wait3A_209 = tpu.memref_squeeze %dma_wait3A_208 : memref<1x98304xf32, #tpu.memory_space<any>> -> memref<98304xf32, #tpu.memory_space<any>>
      %dma_wait3A_210 = arith.constant 294912 : i32
      %dma_wait3A_211 = tpu.memref_slice %arg4[%rem3A_0, %dma_wait3A_210] : memref<2x786432xf32, #tpu.memory_space<vmem>> -> memref<1x98304xf32, #tpu.memory_space<vmem>>
      %dma_wait3A_212 = tpu.memref_squeeze %dma_wait3A_211 : memref<1x98304xf32, #tpu.memory_space<vmem>> -> memref<98304xf32, #tpu.memory_space<vmem>>
      tpu.wait_dma2 semaphore(%dma_wait3A_206 : memref<!tpu.dma_semaphore, #tpu.memory_space<semaphore_mem>>) src(%dma_wait3A_212 : memref<98304xf32, #tpu.memory_space<vmem>>) dst(%dma_wait3A_209 : memref<98304xf32, #tpu.memory_space<any>>)
      %sub3A_213 = arith.constant 2 : i32
      %sub3A_214 = arith.subi %arg0, %sub3A_213 : i32
      %dma_wait3A_215 = arith.constant 4 : i32
      %dma_wait3A_216 = tpu.memref_slice %arg6[%rem3A_0, %dma_wait3A_215] : memref<2x8x!tpu.dma_semaphore, #tpu.memory_space<semaphore_mem>> -> memref<1x1x!tpu.dma_semaphore, #tpu.memory_space<semaphore_mem>>
      %dma_wait3A_217 = tpu.memref_squeeze %dma_wait3A_216 : memref<1x1x!tpu.dma_semaphore, #tpu.memory_space<semaphore_mem>> -> memref<!tpu.dma_semaphore, #tpu.memory_space<semaphore_mem>>
      %dma_wait3A_218 = arith.constant 393216 : i32
      %dma_wait3A_219 = tpu.memref_slice %arg2[%sub3A_214, %dma_wait3A_218] : memref<16x786432xf32, #tpu.memory_space<any>> -> memref<1x98304xf32, #tpu.memory_space<any>>
      %dma_wait3A_220 = tpu.memref_squeeze %dma_wait3A_219 : memref<1x98304xf32, #tpu.memory_space<any>> -> memref<98304xf32, #tpu.memory_space<any>>
      %dma_wait3A_221 = arith.constant 393216 : i32
      %dma_wait3A_222 = tpu.memref_slice %arg4[%rem3A_0, %dma_wait3A_221] : memref<2x786432xf32, #tpu.memory_space<vmem>> -> memref<1x98304xf32, #tpu.memory_space<vmem>>
      %dma_wait3A_223 = tpu.memref_squeeze %dma_wait3A_222 : memref<1x98304xf32, #tpu.memory_space<vmem>> -> memref<98304xf32, #tpu.memory_space<vmem>>
      tpu.wait_dma2 semaphore(%dma_wait3A_217 : memref<!tpu.dma_semaphore, #tpu.memory_space<semaphore_mem>>) src(%dma_wait3A_223 : memref<98304xf32, #tpu.memory_space<vmem>>) dst(%dma_wait3A_220 : memref<98304xf32, #tpu.memory_space<any>>)
      %sub3A_224 = arith.constant 2 : i32
      %sub3A_225 = arith.subi %arg0, %sub3A_224 : i32
      %dma_wait3A_226 = arith.constant 5 : i32
      %dma_wait3A_227 = tpu.memref_slice %arg6[%rem3A_0, %dma_wait3A_226] : memref<2x8x!tpu.dma_semaphore, #tpu.memory_space<semaphore_mem>> -> memref<1x1x!tpu.dma_semaphore, #tpu.memory_space<semaphore_mem>>
      %dma_wait3A_228 = tpu.memref_squeeze %dma_wait3A_227 : memref<1x1x!tpu.dma_semaphore, #tpu.memory_space<semaphore_mem>> -> memref<!tpu.dma_semaphore, #tpu.memory_space<semaphore_mem>>
      %dma_wait3A_229 = arith.constant 491520 : i32
      %dma_wait3A_230 = tpu.memref_slice %arg2[%sub3A_225, %dma_wait3A_229] : memref<16x786432xf32, #tpu.memory_space<any>> -> memref<1x98304xf32, #tpu.memory_space<any>>
      %dma_wait3A_231 = tpu.memref_squeeze %dma_wait3A_230 : memref<1x98304xf32, #tpu.memory_space<any>> -> memref<98304xf32, #tpu.memory_space<any>>
      %dma_wait3A_232 = arith.constant 491520 : i32
      %dma_wait3A_233 = tpu.memref_slice %arg4[%rem3A_0, %dma_wait3A_232] : memref<2x786432xf32, #tpu.memory_space<vmem>> -> memref<1x98304xf32, #tpu.memory_space<vmem>>
      %dma_wait3A_234 = tpu.memref_squeeze %dma_wait3A_233 : memref<1x98304xf32, #tpu.memory_space<vmem>> -> memref<98304xf32, #tpu.memory_space<vmem>>
      tpu.wait_dma2 semaphore(%dma_wait3A_228 : memref<!tpu.dma_semaphore, #tpu.memory_space<semaphore_mem>>) src(%dma_wait3A_234 : memref<98304xf32, #tpu.memory_space<vmem>>) dst(%dma_wait3A_231 : memref<98304xf32, #tpu.memory_space<any>>)
      %sub3A_235 = arith.constant 2 : i32
      %sub3A_236 = arith.subi %arg0, %sub3A_235 : i32
      %dma_wait3A_237 = arith.constant 6 : i32
      %dma_wait3A_238 = tpu.memref_slice %arg6[%rem3A_0, %dma_wait3A_237] : memref<2x8x!tpu.dma_semaphore, #tpu.memory_space<semaphore_mem>> -> memref<1x1x!tpu.dma_semaphore, #tpu.memory_space<semaphore_mem>>
      %dma_wait3A_239 = tpu.memref_squeeze %dma_wait3A_238 : memref<1x1x!tpu.dma_semaphore, #tpu.memory_space<semaphore_mem>> -> memref<!tpu.dma_semaphore, #tpu.memory_space<semaphore_mem>>
      %dma_wait3A_240 = arith.constant 589824 : i32
      %dma_wait3A_241 = tpu.memref_slice %arg2[%sub3A_236, %dma_wait3A_240] : memref<16x786432xf32, #tpu.memory_space<any>> -> memref<1x98304xf32, #tpu.memory_space<any>>
      %dma_wait3A_242 = tpu.memref_squeeze %dma_wait3A_241 : memref<1x98304xf32, #tpu.memory_space<any>> -> memref<98304xf32, #tpu.memory_space<any>>
      %dma_wait3A_243 = arith.constant 589824 : i32
      %dma_wait3A_244 = tpu.memref_slice %arg4[%rem3A_0, %dma_wait3A_243] : memref<2x786432xf32, #tpu.memory_space<vmem>> -> memref<1x98304xf32, #tpu.memory_space<vmem>>
      %dma_wait3A_245 = tpu.memref_squeeze %dma_wait3A_244 : memref<1x98304xf32, #tpu.memory_space<vmem>> -> memref<98304xf32, #tpu.memory_space<vmem>>
      tpu.wait_dma2 semaphore(%dma_wait3A_239 : memref<!tpu.dma_semaphore, #tpu.memory_space<semaphore_mem>>) src(%dma_wait3A_245 : memref<98304xf32, #tpu.memory_space<vmem>>) dst(%dma_wait3A_242 : memref<98304xf32, #tpu.memory_space<any>>)
      %sub3A_246 = arith.constant 2 : i32
      %sub3A_247 = arith.subi %arg0, %sub3A_246 : i32
      %dma_wait3A_248 = arith.constant 7 : i32
      %dma_wait3A_249 = tpu.memref_slice %arg6[%rem3A_0, %dma_wait3A_248] : memref<2x8x!tpu.dma_semaphore, #tpu.memory_space<semaphore_mem>> -> memref<1x1x!tpu.dma_semaphore, #tpu.memory_space<semaphore_mem>>
      %dma_wait3A_250 = tpu.memref_squeeze %dma_wait3A_249 : memref<1x1x!tpu.dma_semaphore, #tpu.memory_space<semaphore_mem>> -> memref<!tpu.dma_semaphore, #tpu.memory_space<semaphore_mem>>
      %dma_wait3A_251 = arith.constant 688128 : i32
      %dma_wait3A_252 = tpu.memref_slice %arg2[%sub3A_247, %dma_wait3A_251] : memref<16x786432xf32, #tpu.memory_space<any>> -> memref<1x98304xf32, #tpu.memory_space<any>>
      %dma_wait3A_253 = tpu.memref_squeeze %dma_wait3A_252 : memref<1x98304xf32, #tpu.memory_space<any>> -> memref<98304xf32, #tpu.memory_space<any>>
      %dma_wait3A_254 = arith.constant 688128 : i32
      %dma_wait3A_255 = tpu.memref_slice %arg4[%rem3A_0, %dma_wait3A_254] : memref<2x786432xf32, #tpu.memory_space<vmem>> -> memref<1x98304xf32, #tpu.memory_space<vmem>>
      %dma_wait3A_256 = tpu.memref_squeeze %dma_wait3A_255 : memref<1x98304xf32, #tpu.memory_space<vmem>> -> memref<98304xf32, #tpu.memory_space<vmem>>
      tpu.wait_dma2 semaphore(%dma_wait3A_250 : memref<!tpu.dma_semaphore, #tpu.memory_space<semaphore_mem>>) src(%dma_wait3A_256 : memref<98304xf32, #tpu.memory_space<vmem>>) dst(%dma_wait3A_253 : memref<98304xf32, #tpu.memory_space<any>>)
    } else {
    }
    %get3A = arith.index_cast %rem3A_0 : i32 to index
    %get3A_87 = arith.constant 0 : index
    %get3A_88 = vector.load %arg3[%get3A, %get3A_87] : memref<2x786432xf32, #tpu.memory_space<vmem>>, vector<1x786432xf32>
    %get3A_89 = vector.shape_cast %get3A_88 : vector<1x786432xf32> to vector<786432xf32>
    %swap3A = arith.index_cast %rem3A_0 : i32 to index
    %swap3A_90 = arith.constant 0 : index
    %swap3A_91 = vector.load %arg4[%swap3A, %swap3A_90] : memref<2x786432xf32, #tpu.memory_space<vmem>>, vector<1x786432xf32>
    %swap3A_92 = vector.shape_cast %swap3A_91 : vector<1x786432xf32> to vector<786432xf32>
    %swap3A_93 = vector.shape_cast %get3A_89 : vector<786432xf32> to vector<1x786432xf32>
    tpu.vector_store %arg4[%swap3A, %swap3A_90], %swap3A_93 {strides = array<i32>} : memref<2x786432xf32, #tpu.memory_space<vmem>>, vector<1x786432xf32>,
    %dma_start3A = arith.constant 0 : i32
    %dma_start3A_94 = tpu.memref_slice %arg6[%rem3A_0, %dma_start3A] : memref<2x8x!tpu.dma_semaphore, #tpu.memory_space<semaphore_mem>> -> memref<1x1x!tpu.dma_semaphore, #tpu.memory_space<semaphore_mem>>
    %dma_start3A_95 = tpu.memref_squeeze %dma_start3A_94 : memref<1x1x!tpu.dma_semaphore, #tpu.memory_space<semaphore_mem>> -> memref<!tpu.dma_semaphore, #tpu.memory_space<semaphore_mem>>
    %dma_start3A_96 = arith.constant 0 : i32
    %dma_start3A_97 = tpu.memref_slice %arg2[%arg0, %dma_start3A_96] : memref<16x786432xf32, #tpu.memory_space<any>> -> memref<1x98304xf32, #tpu.memory_space<any>>
    %dma_start3A_98 = tpu.memref_squeeze %dma_start3A_97 : memref<1x98304xf32, #tpu.memory_space<any>> -> memref<98304xf32, #tpu.memory_space<any>>
    %dma_start3A_99 = arith.constant 0 : i32
    %dma_start3A_100 = tpu.memref_slice %arg4[%rem3A_0, %dma_start3A_99] : memref<2x786432xf32, #tpu.memory_space<vmem>> -> memref<1x98304xf32, #tpu.memory_space<vmem>>
    %dma_start3A_101 = tpu.memref_squeeze %dma_start3A_100 : memref<1x98304xf32, #tpu.memory_space<vmem>> -> memref<98304xf32, #tpu.memory_space<vmem>>
    tpu.enqueue_dma source(%dma_start3A_101 : memref<98304xf32, #tpu.memory_space<vmem>>) target(%dma_start3A_98 : memref<98304xf32, #tpu.memory_space<any>>) target_semaphore(%dma_start3A_95 : memref<!tpu.dma_semaphore, #tpu.memory_space<semaphore_mem>>)
    %dma_start3A_102 = arith.constant 1 : i32
    %dma_start3A_103 = tpu.memref_slice %arg6[%rem3A_0, %dma_start3A_102] : memref<2x8x!tpu.dma_semaphore, #tpu.memory_space<semaphore_mem>> -> memref<1x1x!tpu.dma_semaphore, #tpu.memory_space<semaphore_mem>>
    %dma_start3A_104 = tpu.memref_squeeze %dma_start3A_103 : memref<1x1x!tpu.dma_semaphore, #tpu.memory_space<semaphore_mem>> -> memref<!tpu.dma_semaphore, #tpu.memory_space<semaphore_mem>>
    %dma_start3A_105 = arith.constant 98304 : i32
    %dma_start3A_106 = tpu.memref_slice %arg2[%arg0, %dma_start3A_105] : memref<16x786432xf32, #tpu.memory_space<any>> -> memref<1x98304xf32, #tpu.memory_space<any>>
    %dma_start3A_107 = tpu.memref_squeeze %dma_start3A_106 : memref<1x98304xf32, #tpu.memory_space<any>> -> memref<98304xf32, #tpu.memory_space<any>>
    %dma_start3A_108 = arith.constant 98304 : i32
    %dma_start3A_109 = tpu.memref_slice %arg4[%rem3A_0, %dma_start3A_108] : memref<2x786432xf32, #tpu.memory_space<vmem>> -> memref<1x98304xf32, #tpu.memory_space<vmem>>
    %dma_start3A_110 = tpu.memref_squeeze %dma_start3A_109 : memref<1x98304xf32, #tpu.memory_space<vmem>> -> memref<98304xf32, #tpu.memory_space<vmem>>
    tpu.enqueue_dma source(%dma_start3A_110 : memref<98304xf32, #tpu.memory_space<vmem>>) target(%dma_start3A_107 : memref<98304xf32, #tpu.memory_space<any>>) target_semaphore(%dma_start3A_104 : memref<!tpu.dma_semaphore, #tpu.memory_space<semaphore_mem>>)
    %dma_start3A_111 = arith.constant 2 : i32
    %dma_start3A_112 = tpu.memref_slice %arg6[%rem3A_0, %dma_start3A_111] : memref<2x8x!tpu.dma_semaphore, #tpu.memory_space<semaphore_mem>> -> memref<1x1x!tpu.dma_semaphore, #tpu.memory_space<semaphore_mem>>
    %dma_start3A_113 = tpu.memref_squeeze %dma_start3A_112 : memref<1x1x!tpu.dma_semaphore, #tpu.memory_space<semaphore_mem>> -> memref<!tpu.dma_semaphore, #tpu.memory_space<semaphore_mem>>
    %dma_start3A_114 = arith.constant 196608 : i32
    %dma_start3A_115 = tpu.memref_slice %arg2[%arg0, %dma_start3A_114] : memref<16x786432xf32, #tpu.memory_space<any>> -> memref<1x98304xf32, #tpu.memory_space<any>>
    %dma_start3A_116 = tpu.memref_squeeze %dma_start3A_115 : memref<1x98304xf32, #tpu.memory_space<any>> -> memref<98304xf32, #tpu.memory_space<any>>
    %dma_start3A_117 = arith.constant 196608 : i32
    %dma_start3A_118 = tpu.memref_slice %arg4[%rem3A_0, %dma_start3A_117] : memref<2x786432xf32, #tpu.memory_space<vmem>> -> memref<1x98304xf32, #tpu.memory_space<vmem>>
    %dma_start3A_119 = tpu.memref_squeeze %dma_start3A_118 : memref<1x98304xf32, #tpu.memory_space<vmem>> -> memref<98304xf32, #tpu.memory_space<vmem>>
    tpu.enqueue_dma source(%dma_start3A_119 : memref<98304xf32, #tpu.memory_space<vmem>>) target(%dma_start3A_116 : memref<98304xf32, #tpu.memory_space<any>>) target_semaphore(%dma_start3A_113 : memref<!tpu.dma_semaphore, #tpu.memory_space<semaphore_mem>>)
    %dma_start3A_120 = arith.constant 3 : i32
    %dma_start3A_121 = tpu.memref_slice %arg6[%rem3A_0, %dma_start3A_120] : memref<2x8x!tpu.dma_semaphore, #tpu.memory_space<semaphore_mem>> -> memref<1x1x!tpu.dma_semaphore, #tpu.memory_space<semaphore_mem>>
    %dma_start3A_122 = tpu.memref_squeeze %dma_start3A_121 : memref<1x1x!tpu.dma_semaphore, #tpu.memory_space<semaphore_mem>> -> memref<!tpu.dma_semaphore, #tpu.memory_space<semaphore_mem>>
    %dma_start3A_123 = arith.constant 294912 : i32
    %dma_start3A_124 = tpu.memref_slice %arg2[%arg0, %dma_start3A_123] : memref<16x786432xf32, #tpu.memory_space<any>> -> memref<1x98304xf32, #tpu.memory_space<any>>
    %dma_start3A_125 = tpu.memref_squeeze %dma_start3A_124 : memref<1x98304xf32, #tpu.memory_space<any>> -> memref<98304xf32, #tpu.memory_space<any>>
    %dma_start3A_126 = arith.constant 294912 : i32
    %dma_start3A_127 = tpu.memref_slice %arg4[%rem3A_0, %dma_start3A_126] : memref<2x786432xf32, #tpu.memory_space<vmem>> -> memref<1x98304xf32, #tpu.memory_space<vmem>>
    %dma_start3A_128 = tpu.memref_squeeze %dma_start3A_127 : memref<1x98304xf32, #tpu.memory_space<vmem>> -> memref<98304xf32, #tpu.memory_space<vmem>>
    tpu.enqueue_dma source(%dma_start3A_128 : memref<98304xf32, #tpu.memory_space<vmem>>) target(%dma_start3A_125 : memref<98304xf32, #tpu.memory_space<any>>) target_semaphore(%dma_start3A_122 : memref<!tpu.dma_semaphore, #tpu.memory_space<semaphore_mem>>)
    %dma_start3A_129 = arith.constant 4 : i32
    %dma_start3A_130 = tpu.memref_slice %arg6[%rem3A_0, %dma_start3A_129] : memref<2x8x!tpu.dma_semaphore, #tpu.memory_space<semaphore_mem>> -> memref<1x1x!tpu.dma_semaphore, #tpu.memory_space<semaphore_mem>>
    %dma_start3A_131 = tpu.memref_squeeze %dma_start3A_130 : memref<1x1x!tpu.dma_semaphore, #tpu.memory_space<semaphore_mem>> -> memref<!tpu.dma_semaphore, #tpu.memory_space<semaphore_mem>>
    %dma_start3A_132 = arith.constant 393216 : i32
    %dma_start3A_133 = tpu.memref_slice %arg2[%arg0, %dma_start3A_132] : memref<16x786432xf32, #tpu.memory_space<any>> -> memref<1x98304xf32, #tpu.memory_space<any>>
    %dma_start3A_134 = tpu.memref_squeeze %dma_start3A_133 : memref<1x98304xf32, #tpu.memory_space<any>> -> memref<98304xf32, #tpu.memory_space<any>>
    %dma_start3A_135 = arith.constant 393216 : i32
    %dma_start3A_136 = tpu.memref_slice %arg4[%rem3A_0, %dma_start3A_135] : memref<2x786432xf32, #tpu.memory_space<vmem>> -> memref<1x98304xf32, #tpu.memory_space<vmem>>
    %dma_start3A_137 = tpu.memref_squeeze %dma_start3A_136 : memref<1x98304xf32, #tpu.memory_space<vmem>> -> memref<98304xf32, #tpu.memory_space<vmem>>
    tpu.enqueue_dma source(%dma_start3A_137 : memref<98304xf32, #tpu.memory_space<vmem>>) target(%dma_start3A_134 : memref<98304xf32, #tpu.memory_space<any>>) target_semaphore(%dma_start3A_131 : memref<!tpu.dma_semaphore, #tpu.memory_space<semaphore_mem>>)
    %dma_start3A_138 = arith.constant 5 : i32
    %dma_start3A_139 = tpu.memref_slice %arg6[%rem3A_0, %dma_start3A_138] : memref<2x8x!tpu.dma_semaphore, #tpu.memory_space<semaphore_mem>> -> memref<1x1x!tpu.dma_semaphore, #tpu.memory_space<semaphore_mem>>
    %dma_start3A_140 = tpu.memref_squeeze %dma_start3A_139 : memref<1x1x!tpu.dma_semaphore, #tpu.memory_space<semaphore_mem>> -> memref<!tpu.dma_semaphore, #tpu.memory_space<semaphore_mem>>
    %dma_start3A_141 = arith.constant 491520 : i32
    %dma_start3A_142 = tpu.memref_slice %arg2[%arg0, %dma_start3A_141] : memref<16x786432xf32, #tpu.memory_space<any>> -> memref<1x98304xf32, #tpu.memory_space<any>>
    %dma_start3A_143 = tpu.memref_squeeze %dma_start3A_142 : memref<1x98304xf32, #tpu.memory_space<any>> -> memref<98304xf32, #tpu.memory_space<any>>
    %dma_start3A_144 = arith.constant 491520 : i32
    %dma_start3A_145 = tpu.memref_slice %arg4[%rem3A_0, %dma_start3A_144] : memref<2x786432xf32, #tpu.memory_space<vmem>> -> memref<1x98304xf32, #tpu.memory_space<vmem>>
    %dma_start3A_146 = tpu.memref_squeeze %dma_start3A_145 : memref<1x98304xf32, #tpu.memory_space<vmem>> -> memref<98304xf32, #tpu.memory_space<vmem>>
    tpu.enqueue_dma source(%dma_start3A_146 : memref<98304xf32, #tpu.memory_space<vmem>>) target(%dma_start3A_143 : memref<98304xf32, #tpu.memory_space<any>>) target_semaphore(%dma_start3A_140 : memref<!tpu.dma_semaphore, #tpu.memory_space<semaphore_mem>>)
    %dma_start3A_147 = arith.constant 6 : i32
    %dma_start3A_148 = tpu.memref_slice %arg6[%rem3A_0, %dma_start3A_147] : memref<2x8x!tpu.dma_semaphore, #tpu.memory_space<semaphore_mem>> -> memref<1x1x!tpu.dma_semaphore, #tpu.memory_space<semaphore_mem>>
    %dma_start3A_149 = tpu.memref_squeeze %dma_start3A_148 : memref<1x1x!tpu.dma_semaphore, #tpu.memory_space<semaphore_mem>> -> memref<!tpu.dma_semaphore, #tpu.memory_space<semaphore_mem>>
    %dma_start3A_150 = arith.constant 589824 : i32
    %dma_start3A_151 = tpu.memref_slice %arg2[%arg0, %dma_start3A_150] : memref<16x786432xf32, #tpu.memory_space<any>> -> memref<1x98304xf32, #tpu.memory_space<any>>
    %dma_start3A_152 = tpu.memref_squeeze %dma_start3A_151 : memref<1x98304xf32, #tpu.memory_space<any>> -> memref<98304xf32, #tpu.memory_space<any>>
    %dma_start3A_153 = arith.constant 589824 : i32
    %dma_start3A_154 = tpu.memref_slice %arg4[%rem3A_0, %dma_start3A_153] : memref<2x786432xf32, #tpu.memory_space<vmem>> -> memref<1x98304xf32, #tpu.memory_space<vmem>>
    %dma_start3A_155 = tpu.memref_squeeze %dma_start3A_154 : memref<1x98304xf32, #tpu.memory_space<vmem>> -> memref<98304xf32, #tpu.memory_space<vmem>>
    tpu.enqueue_dma source(%dma_start3A_155 : memref<98304xf32, #tpu.memory_space<vmem>>) target(%dma_start3A_152 : memref<98304xf32, #tpu.memory_space<any>>) target_semaphore(%dma_start3A_149 : memref<!tpu.dma_semaphore, #tpu.memory_space<semaphore_mem>>)
    %dma_start3A_156 = arith.constant 7 : i32
    %dma_start3A_157 = tpu.memref_slice %arg6[%rem3A_0, %dma_start3A_156] : memref<2x8x!tpu.dma_semaphore, #tpu.memory_space<semaphore_mem>> -> memref<1x1x!tpu.dma_semaphore, #tpu.memory_space<semaphore_mem>>
    %dma_start3A_158 = tpu.memref_squeeze %dma_start3A_157 : memref<1x1x!tpu.dma_semaphore, #tpu.memory_space<semaphore_mem>> -> memref<!tpu.dma_semaphore, #tpu.memory_space<semaphore_mem>>
    %dma_start3A_159 = arith.constant 688128 : i32
    %dma_start3A_160 = tpu.memref_slice %arg2[%arg0, %dma_start3A_159] : memref<16x786432xf32, #tpu.memory_space<any>> -> memref<1x98304xf32, #tpu.memory_space<any>>
    %dma_start3A_161 = tpu.memref_squeeze %dma_start3A_160 : memref<1x98304xf32, #tpu.memory_space<any>> -> memref<98304xf32, #tpu.memory_space<any>>
    %dma_start3A_162 = arith.constant 688128 : i32
    %dma_start3A_163 = tpu.memref_slice %arg4[%rem3A_0, %dma_start3A_162] : memref<2x786432xf32, #tpu.memory_space<vmem>> -> memref<1x98304xf32, #tpu.memory_space<vmem>>
    %dma_start3A_164 = tpu.memref_squeeze %dma_start3A_163 : memref<1x98304xf32, #tpu.memory_space<vmem>> -> memref<98304xf32, #tpu.memory_space<vmem>>
    tpu.enqueue_dma source(%dma_start3A_164 : memref<98304xf32, #tpu.memory_space<vmem>>) target(%dma_start3A_161 : memref<98304xf32, #tpu.memory_space<any>>) target_semaphore(%dma_start3A_158 : memref<!tpu.dma_semaphore, #tpu.memory_space<semaphore_mem>>)
    %eq3A_165 = arith.constant 15 : i32
    %eq3A_166 = arith.cmpi eq, %arg0, %eq3A_165 : i32
    %convert_element_type3A_167 = arith.extui %eq3A_166 : i1 to i32
    %cond3A_168 = arith.constant 0 : i32
    %cond3A_169 = arith.cmpi ne, %convert_element_type3A_167, %cond3A_168 : i32
    scf.if %cond3A_169 {
      %sub3A = arith.constant 1 : i32
      %sub3A_170 = arith.subi %arg0, %sub3A : i32
      %dma_wait3A_171 = arith.constant 0 : i32
      %dma_wait3A_172 = tpu.memref_slice %arg6[%rem3A_3, %dma_wait3A_171] : memref<2x8x!tpu.dma_semaphore, #tpu.memory_space<semaphore_mem>> -> memref<1x1x!tpu.dma_semaphore, #tpu.memory_space<semaphore_mem>>
      %dma_wait3A_173 = tpu.memref_squeeze %dma_wait3A_172 : memref<1x1x!tpu.dma_semaphore, #tpu.memory_space<semaphore_mem>> -> memref<!tpu.dma_semaphore, #tpu.memory_space<semaphore_mem>>
      %dma_wait3A_174 = arith.constant 0 : i32
      %dma_wait3A_175 = tpu.memref_slice %arg2[%sub3A_170, %dma_wait3A_174] : memref<16x786432xf32, #tpu.memory_space<any>> -> memref<1x98304xf32, #tpu.memory_space<any>>
      %dma_wait3A_176 = tpu.memref_squeeze %dma_wait3A_175 : memref<1x98304xf32, #tpu.memory_space<any>> -> memref<98304xf32, #tpu.memory_space<any>>
      %dma_wait3A_177 = arith.constant 0 : i32
      %dma_wait3A_178 = tpu.memref_slice %arg4[%rem3A_3, %dma_wait3A_177] : memref<2x786432xf32, #tpu.memory_space<vmem>> -> memref<1x98304xf32, #tpu.memory_space<vmem>>
      %dma_wait3A_179 = tpu.memref_squeeze %dma_wait3A_178 : memref<1x98304xf32, #tpu.memory_space<vmem>> -> memref<98304xf32, #tpu.memory_space<vmem>>
      tpu.wait_dma2 semaphore(%dma_wait3A_173 : memref<!tpu.dma_semaphore, #tpu.memory_space<semaphore_mem>>) src(%dma_wait3A_179 : memref<98304xf32, #tpu.memory_space<vmem>>) dst(%dma_wait3A_176 : memref<98304xf32, #tpu.memory_space<any>>)
      %dma_wait3A_180 = arith.constant 0 : i32
      %dma_wait3A_181 = tpu.memref_slice %arg6[%rem3A_0, %dma_wait3A_180] : memref<2x8x!tpu.dma_semaphore, #tpu.memory_space<semaphore_mem>> -> memref<1x1x!tpu.dma_semaphore, #tpu.memory_space<semaphore_mem>>
      %dma_wait3A_182 = tpu.memref_squeeze %dma_wait3A_181 : memref<1x1x!tpu.dma_semaphore, #tpu.memory_space<semaphore_mem>> -> memref<!tpu.dma_semaphore, #tpu.memory_space<semaphore_mem>>
      %dma_wait3A_183 = arith.constant 0 : i32
      %dma_wait3A_184 = tpu.memref_slice %arg2[%arg0, %dma_wait3A_183] : memref<16x786432xf32, #tpu.memory_space<any>> -> memref<1x98304xf32, #tpu.memory_space<any>>
      %dma_wait3A_185 = tpu.memref_squeeze %dma_wait3A_184 : memref<1x98304xf32, #tpu.memory_space<any>> -> memref<98304xf32, #tpu.memory_space<any>>
      %dma_wait3A_186 = arith.constant 0 : i32
      %dma_wait3A_187 = tpu.memref_slice %arg4[%rem3A_0, %dma_wait3A_186] : memref<2x786432xf32, #tpu.memory_space<vmem>> -> memref<1x98304xf32, #tpu.memory_space<vmem>>
      %dma_wait3A_188 = tpu.memref_squeeze %dma_wait3A_187 : memref<1x98304xf32, #tpu.memory_space<vmem>> -> memref<98304xf32, #tpu.memory_space<vmem>>
      tpu.wait_dma2 semaphore(%dma_wait3A_182 : memref<!tpu.dma_semaphore, #tpu.memory_space<semaphore_mem>>) src(%dma_wait3A_188 : memref<98304xf32, #tpu.memory_space<vmem>>) dst(%dma_wait3A_185 : memref<98304xf32, #tpu.memory_space<any>>)
      %sub3A_189 = arith.constant 1 : i32
      %sub3A_190 = arith.subi %arg0, %sub3A_189 : i32
      %dma_wait3A_191 = arith.constant 1 : i32
      %dma_wait3A_192 = tpu.memref_slice %arg6[%rem3A_3, %dma_wait3A_191] : memref<2x8x!tpu.dma_semaphore, #tpu.memory_space<semaphore_mem>> -> memref<1x1x!tpu.dma_semaphore, #tpu.memory_space<semaphore_mem>>
      %dma_wait3A_193 = tpu.memref_squeeze %dma_wait3A_192 : memref<1x1x!tpu.dma_semaphore, #tpu.memory_space<semaphore_mem>> -> memref<!tpu.dma_semaphore, #tpu.memory_space<semaphore_mem>>
      %dma_wait3A_194 = arith.constant 98304 : i32
      %dma_wait3A_195 = tpu.memref_slice %arg2[%sub3A_190, %dma_wait3A_194] : memref<16x786432xf32, #tpu.memory_space<any>> -> memref<1x98304xf32, #tpu.memory_space<any>>
      %dma_wait3A_196 = tpu.memref_squeeze %dma_wait3A_195 : memref<1x98304xf32, #tpu.memory_space<any>> -> memref<98304xf32, #tpu.memory_space<any>>
      %dma_wait3A_197 = arith.constant 98304 : i32
      %dma_wait3A_198 = tpu.memref_slice %arg4[%rem3A_3, %dma_wait3A_197] : memref<2x786432xf32, #tpu.memory_space<vmem>> -> memref<1x98304xf32, #tpu.memory_space<vmem>>
      %dma_wait3A_199 = tpu.memref_squeeze %dma_wait3A_198 : memref<1x98304xf32, #tpu.memory_space<vmem>> -> memref<98304xf32, #tpu.memory_space<vmem>>
      tpu.wait_dma2 semaphore(%dma_wait3A_193 : memref<!tpu.dma_semaphore, #tpu.memory_space<semaphore_mem>>) src(%dma_wait3A_199 : memref<98304xf32, #tpu.memory_space<vmem>>) dst(%dma_wait3A_196 : memref<98304xf32, #tpu.memory_space<any>>)
      %dma_wait3A_200 = arith.constant 1 : i32
      %dma_wait3A_201 = tpu.memref_slice %arg6[%rem3A_0, %dma_wait3A_200] : memref<2x8x!tpu.dma_semaphore, #tpu.memory_space<semaphore_mem>> -> memref<1x1x!tpu.dma_semaphore, #tpu.memory_space<semaphore_mem>>
      %dma_wait3A_202 = tpu.memref_squeeze %dma_wait3A_201 : memref<1x1x!tpu.dma_semaphore, #tpu.memory_space<semaphore_mem>> -> memref<!tpu.dma_semaphore, #tpu.memory_space<semaphore_mem>>
      %dma_wait3A_203 = arith.constant 98304 : i32
      %dma_wait3A_204 = tpu.memref_slice %arg2[%arg0, %dma_wait3A_203] : memref<16x786432xf32, #tpu.memory_space<any>> -> memref<1x98304xf32, #tpu.memory_space<any>>
      %dma_wait3A_205 = tpu.memref_squeeze %dma_wait3A_204 : memref<1x98304xf32, #tpu.memory_space<any>> -> memref<98304xf32, #tpu.memory_space<any>>
      %dma_wait3A_206 = arith.constant 98304 : i32
      %dma_wait3A_207 = tpu.memref_slice %arg4[%rem3A_0, %dma_wait3A_206] : memref<2x786432xf32, #tpu.memory_space<vmem>> -> memref<1x98304xf32, #tpu.memory_space<vmem>>
      %dma_wait3A_208 = tpu.memref_squeeze %dma_wait3A_207 : memref<1x98304xf32, #tpu.memory_space<vmem>> -> memref<98304xf32, #tpu.memory_space<vmem>>
      tpu.wait_dma2 semaphore(%dma_wait3A_202 : memref<!tpu.dma_semaphore, #tpu.memory_space<semaphore_mem>>) src(%dma_wait3A_208 : memref<98304xf32, #tpu.memory_space<vmem>>) dst(%dma_wait3A_205 : memref<98304xf32, #tpu.memory_space<any>>)
      %sub3A_209 = arith.constant 1 : i32
      %sub3A_210 = arith.subi %arg0, %sub3A_209 : i32
      %dma_wait3A_211 = arith.constant 2 : i32
      %dma_wait3A_212 = tpu.memref_slice %arg6[%rem3A_3, %dma_wait3A_211] : memref<2x8x!tpu.dma_semaphore, #tpu.memory_space<semaphore_mem>> -> memref<1x1x!tpu.dma_semaphore, #tpu.memory_space<semaphore_mem>>
      %dma_wait3A_213 = tpu.memref_squeeze %dma_wait3A_212 : memref<1x1x!tpu.dma_semaphore, #tpu.memory_space<semaphore_mem>> -> memref<!tpu.dma_semaphore, #tpu.memory_space<semaphore_mem>>
      %dma_wait3A_214 = arith.constant 196608 : i32
      %dma_wait3A_215 = tpu.memref_slice %arg2[%sub3A_210, %dma_wait3A_214] : memref<16x786432xf32, #tpu.memory_space<any>> -> memref<1x98304xf32, #tpu.memory_space<any>>
      %dma_wait3A_216 = tpu.memref_squeeze %dma_wait3A_215 : memref<1x98304xf32, #tpu.memory_space<any>> -> memref<98304xf32, #tpu.memory_space<any>>
      %dma_wait3A_217 = arith.constant 196608 : i32
      %dma_wait3A_218 = tpu.memref_slice %arg4[%rem3A_3, %dma_wait3A_217] : memref<2x786432xf32, #tpu.memory_space<vmem>> -> memref<1x98304xf32, #tpu.memory_space<vmem>>
      %dma_wait3A_219 = tpu.memref_squeeze %dma_wait3A_218 : memref<1x98304xf32, #tpu.memory_space<vmem>> -> memref<98304xf32, #tpu.memory_space<vmem>>
      tpu.wait_dma2 semaphore(%dma_wait3A_213 : memref<!tpu.dma_semaphore, #tpu.memory_space<semaphore_mem>>) src(%dma_wait3A_219 : memref<98304xf32, #tpu.memory_space<vmem>>) dst(%dma_wait3A_216 : memref<98304xf32, #tpu.memory_space<any>>)
      %dma_wait3A_220 = arith.constant 2 : i32
      %dma_wait3A_221 = tpu.memref_slice %arg6[%rem3A_0, %dma_wait3A_220] : memref<2x8x!tpu.dma_semaphore, #tpu.memory_space<semaphore_mem>> -> memref<1x1x!tpu.dma_semaphore, #tpu.memory_space<semaphore_mem>>
      %dma_wait3A_222 = tpu.memref_squeeze %dma_wait3A_221 : memref<1x1x!tpu.dma_semaphore, #tpu.memory_space<semaphore_mem>> -> memref<!tpu.dma_semaphore, #tpu.memory_space<semaphore_mem>>
      %dma_wait3A_223 = arith.constant 196608 : i32
      %dma_wait3A_224 = tpu.memref_slice %arg2[%arg0, %dma_wait3A_223] : memref<16x786432xf32, #tpu.memory_space<any>> -> memref<1x98304xf32, #tpu.memory_space<any>>
      %dma_wait3A_225 = tpu.memref_squeeze %dma_wait3A_224 : memref<1x98304xf32, #tpu.memory_space<any>> -> memref<98304xf32, #tpu.memory_space<any>>
      %dma_wait3A_226 = arith.constant 196608 : i32
      %dma_wait3A_227 = tpu.memref_slice %arg4[%rem3A_0, %dma_wait3A_226] : memref<2x786432xf32, #tpu.memory_space<vmem>> -> memref<1x98304xf32, #tpu.memory_space<vmem>>
      %dma_wait3A_228 = tpu.memref_squeeze %dma_wait3A_227 : memref<1x98304xf32, #tpu.memory_space<vmem>> -> memref<98304xf32, #tpu.memory_space<vmem>>
      tpu.wait_dma2 semaphore(%dma_wait3A_222 : memref<!tpu.dma_semaphore, #tpu.memory_space<semaphore_mem>>) src(%dma_wait3A_228 : memref<98304xf32, #tpu.memory_space<vmem>>) dst(%dma_wait3A_225 : memref<98304xf32, #tpu.memory_space<any>>)
      %sub3A_229 = arith.constant 1 : i32
      %sub3A_230 = arith.subi %arg0, %sub3A_229 : i32
      %dma_wait3A_231 = arith.constant 3 : i32
      %dma_wait3A_232 = tpu.memref_slice %arg6[%rem3A_3, %dma_wait3A_231] : memref<2x8x!tpu.dma_semaphore, #tpu.memory_space<semaphore_mem>> -> memref<1x1x!tpu.dma_semaphore, #tpu.memory_space<semaphore_mem>>
      %dma_wait3A_233 = tpu.memref_squeeze %dma_wait3A_232 : memref<1x1x!tpu.dma_semaphore, #tpu.memory_space<semaphore_mem>> -> memref<!tpu.dma_semaphore, #tpu.memory_space<semaphore_mem>>
      %dma_wait3A_234 = arith.constant 294912 : i32
      %dma_wait3A_235 = tpu.memref_slice %arg2[%sub3A_230, %dma_wait3A_234] : memref<16x786432xf32, #tpu.memory_space<any>> -> memref<1x98304xf32, #tpu.memory_space<any>>
      %dma_wait3A_236 = tpu.memref_squeeze %dma_wait3A_235 : memref<1x98304xf32, #tpu.memory_space<any>> -> memref<98304xf32, #tpu.memory_space<any>>
      %dma_wait3A_237 = arith.constant 294912 : i32
      %dma_wait3A_238 = tpu.memref_slice %arg4[%rem3A_3, %dma_wait3A_237] : memref<2x786432xf32, #tpu.memory_space<vmem>> -> memref<1x98304xf32, #tpu.memory_space<vmem>>
      %dma_wait3A_239 = tpu.memref_squeeze %dma_wait3A_238 : memref<1x98304xf32, #tpu.memory_space<vmem>> -> memref<98304xf32, #tpu.memory_space<vmem>>
      tpu.wait_dma2 semaphore(%dma_wait3A_233 : memref<!tpu.dma_semaphore, #tpu.memory_space<semaphore_mem>>) src(%dma_wait3A_239 : memref<98304xf32, #tpu.memory_space<vmem>>) dst(%dma_wait3A_236 : memref<98304xf32, #tpu.memory_space<any>>)
      %dma_wait3A_240 = arith.constant 3 : i32
      %dma_wait3A_241 = tpu.memref_slice %arg6[%rem3A_0, %dma_wait3A_240] : memref<2x8x!tpu.dma_semaphore, #tpu.memory_space<semaphore_mem>> -> memref<1x1x!tpu.dma_semaphore, #tpu.memory_space<semaphore_mem>>
      %dma_wait3A_242 = tpu.memref_squeeze %dma_wait3A_241 : memref<1x1x!tpu.dma_semaphore, #tpu.memory_space<semaphore_mem>> -> memref<!tpu.dma_semaphore, #tpu.memory_space<semaphore_mem>>
      %dma_wait3A_243 = arith.constant 294912 : i32
      %dma_wait3A_244 = tpu.memref_slice %arg2[%arg0, %dma_wait3A_243] : memref<16x786432xf32, #tpu.memory_space<any>> -> memref<1x98304xf32, #tpu.memory_space<any>>
      %dma_wait3A_245 = tpu.memref_squeeze %dma_wait3A_244 : memref<1x98304xf32, #tpu.memory_space<any>> -> memref<98304xf32, #tpu.memory_space<any>>
      %dma_wait3A_246 = arith.constant 294912 : i32
      %dma_wait3A_247 = tpu.memref_slice %arg4[%rem3A_0, %dma_wait3A_246] : memref<2x786432xf32, #tpu.memory_space<vmem>> -> memref<1x98304xf32, #tpu.memory_space<vmem>>
      %dma_wait3A_248 = tpu.memref_squeeze %dma_wait3A_247 : memref<1x98304xf32, #tpu.memory_space<vmem>> -> memref<98304xf32, #tpu.memory_space<vmem>>
      tpu.wait_dma2 semaphore(%dma_wait3A_242 : memref<!tpu.dma_semaphore, #tpu.memory_space<semaphore_mem>>) src(%dma_wait3A_248 : memref<98304xf32, #tpu.memory_space<vmem>>) dst(%dma_wait3A_245 : memref<98304xf32, #tpu.memory_space<any>>)
      %sub3A_249 = arith.constant 1 : i32
      %sub3A_250 = arith.subi %arg0, %sub3A_249 : i32
      %dma_wait3A_251 = arith.constant 4 : i32
      %dma_wait3A_252 = tpu.memref_slice %arg6[%rem3A_3, %dma_wait3A_251] : memref<2x8x!tpu.dma_semaphore, #tpu.memory_space<semaphore_mem>> -> memref<1x1x!tpu.dma_semaphore, #tpu.memory_space<semaphore_mem>>
      %dma_wait3A_253 = tpu.memref_squeeze %dma_wait3A_252 : memref<1x1x!tpu.dma_semaphore, #tpu.memory_space<semaphore_mem>> -> memref<!tpu.dma_semaphore, #tpu.memory_space<semaphore_mem>>
      %dma_wait3A_254 = arith.constant 393216 : i32
      %dma_wait3A_255 = tpu.memref_slice %arg2[%sub3A_250, %dma_wait3A_254] : memref<16x786432xf32, #tpu.memory_space<any>> -> memref<1x98304xf32, #tpu.memory_space<any>>
      %dma_wait3A_256 = tpu.memref_squeeze %dma_wait3A_255 : memref<1x98304xf32, #tpu.memory_space<any>> -> memref<98304xf32, #tpu.memory_space<any>>
      %dma_wait3A_257 = arith.constant 393216 : i32
      %dma_wait3A_258 = tpu.memref_slice %arg4[%rem3A_3, %dma_wait3A_257] : memref<2x786432xf32, #tpu.memory_space<vmem>> -> memref<1x98304xf32, #tpu.memory_space<vmem>>
      %dma_wait3A_259 = tpu.memref_squeeze %dma_wait3A_258 : memref<1x98304xf32, #tpu.memory_space<vmem>> -> memref<98304xf32, #tpu.memory_space<vmem>>
      tpu.wait_dma2 semaphore(%dma_wait3A_253 : memref<!tpu.dma_semaphore, #tpu.memory_space<semaphore_mem>>) src(%dma_wait3A_259 : memref<98304xf32, #tpu.memory_space<vmem>>) dst(%dma_wait3A_256 : memref<98304xf32, #tpu.memory_space<any>>)
      %dma_wait3A_260 = arith.constant 4 : i32
      %dma_wait3A_261 = tpu.memref_slice %arg6[%rem3A_0, %dma_wait3A_260] : memref<2x8x!tpu.dma_semaphore, #tpu.memory_space<semaphore_mem>> -> memref<1x1x!tpu.dma_semaphore, #tpu.memory_space<semaphore_mem>>
      %dma_wait3A_262 = tpu.memref_squeeze %dma_wait3A_261 : memref<1x1x!tpu.dma_semaphore, #tpu.memory_space<semaphore_mem>> -> memref<!tpu.dma_semaphore, #tpu.memory_space<semaphore_mem>>
      %dma_wait3A_263 = arith.constant 393216 : i32
      %dma_wait3A_264 = tpu.memref_slice %arg2[%arg0, %dma_wait3A_263] : memref<16x786432xf32, #tpu.memory_space<any>> -> memref<1x98304xf32, #tpu.memory_space<any>>
      %dma_wait3A_265 = tpu.memref_squeeze %dma_wait3A_264 : memref<1x98304xf32, #tpu.memory_space<any>> -> memref<98304xf32, #tpu.memory_space<any>>
      %dma_wait3A_266 = arith.constant 393216 : i32
      %dma_wait3A_267 = tpu.memref_slice %arg4[%rem3A_0, %dma_wait3A_266] : memref<2x786432xf32, #tpu.memory_space<vmem>> -> memref<1x98304xf32, #tpu.memory_space<vmem>>
      %dma_wait3A_268 = tpu.memref_squeeze %dma_wait3A_267 : memref<1x98304xf32, #tpu.memory_space<vmem>> -> memref<98304xf32, #tpu.memory_space<vmem>>
      tpu.wait_dma2 semaphore(%dma_wait3A_262 : memref<!tpu.dma_semaphore, #tpu.memory_space<semaphore_mem>>) src(%dma_wait3A_268 : memref<98304xf32, #tpu.memory_space<vmem>>) dst(%dma_wait3A_265 : memref<98304xf32, #tpu.memory_space<any>>)
      %sub3A_269 = arith.constant 1 : i32
      %sub3A_270 = arith.subi %arg0, %sub3A_269 : i32
      %dma_wait3A_271 = arith.constant 5 : i32
      %dma_wait3A_272 = tpu.memref_slice %arg6[%rem3A_3, %dma_wait3A_271] : memref<2x8x!tpu.dma_semaphore, #tpu.memory_space<semaphore_mem>> -> memref<1x1x!tpu.dma_semaphore, #tpu.memory_space<semaphore_mem>>
      %dma_wait3A_273 = tpu.memref_squeeze %dma_wait3A_272 : memref<1x1x!tpu.dma_semaphore, #tpu.memory_space<semaphore_mem>> -> memref<!tpu.dma_semaphore, #tpu.memory_space<semaphore_mem>>
      %dma_wait3A_274 = arith.constant 491520 : i32
      %dma_wait3A_275 = tpu.memref_slice %arg2[%sub3A_270, %dma_wait3A_274] : memref<16x786432xf32, #tpu.memory_space<any>> -> memref<1x98304xf32, #tpu.memory_space<any>>
      %dma_wait3A_276 = tpu.memref_squeeze %dma_wait3A_275 : memref<1x98304xf32, #tpu.memory_space<any>> -> memref<98304xf32, #tpu.memory_space<any>>
      %dma_wait3A_277 = arith.constant 491520 : i32
      %dma_wait3A_278 = tpu.memref_slice %arg4[%rem3A_3, %dma_wait3A_277] : memref<2x786432xf32, #tpu.memory_space<vmem>> -> memref<1x98304xf32, #tpu.memory_space<vmem>>
      %dma_wait3A_279 = tpu.memref_squeeze %dma_wait3A_278 : memref<1x98304xf32, #tpu.memory_space<vmem>> -> memref<98304xf32, #tpu.memory_space<vmem>>
      tpu.wait_dma2 semaphore(%dma_wait3A_273 : memref<!tpu.dma_semaphore, #tpu.memory_space<semaphore_mem>>) src(%dma_wait3A_279 : memref<98304xf32, #tpu.memory_space<vmem>>) dst(%dma_wait3A_276 : memref<98304xf32, #tpu.memory_space<any>>)
      %dma_wait3A_280 = arith.constant 5 : i32
      %dma_wait3A_281 = tpu.memref_slice %arg6[%rem3A_0, %dma_wait3A_280] : memref<2x8x!tpu.dma_semaphore, #tpu.memory_space<semaphore_mem>> -> memref<1x1x!tpu.dma_semaphore, #tpu.memory_space<semaphore_mem>>
      %dma_wait3A_282 = tpu.memref_squeeze %dma_wait3A_281 : memref<1x1x!tpu.dma_semaphore, #tpu.memory_space<semaphore_mem>> -> memref<!tpu.dma_semaphore, #tpu.memory_space<semaphore_mem>>
      %dma_wait3A_283 = arith.constant 491520 : i32
      %dma_wait3A_284 = tpu.memref_slice %arg2[%arg0, %dma_wait3A_283] : memref<16x786432xf32, #tpu.memory_space<any>> -> memref<1x98304xf32, #tpu.memory_space<any>>
      %dma_wait3A_285 = tpu.memref_squeeze %dma_wait3A_284 : memref<1x98304xf32, #tpu.memory_space<any>> -> memref<98304xf32, #tpu.memory_space<any>>
      %dma_wait3A_286 = arith.constant 491520 : i32
      %dma_wait3A_287 = tpu.memref_slice %arg4[%rem3A_0, %dma_wait3A_286] : memref<2x786432xf32, #tpu.memory_space<vmem>> -> memref<1x98304xf32, #tpu.memory_space<vmem>>
      %dma_wait3A_288 = tpu.memref_squeeze %dma_wait3A_287 : memref<1x98304xf32, #tpu.memory_space<vmem>> -> memref<98304xf32, #tpu.memory_space<vmem>>
      tpu.wait_dma2 semaphore(%dma_wait3A_282 : memref<!tpu.dma_semaphore, #tpu.memory_space<semaphore_mem>>) src(%dma_wait3A_288 : memref<98304xf32, #tpu.memory_space<vmem>>) dst(%dma_wait3A_285 : memref<98304xf32, #tpu.memory_space<any>>)
      %sub3A_289 = arith.constant 1 : i32
      %sub3A_290 = arith.subi %arg0, %sub3A_289 : i32
      %dma_wait3A_291 = arith.constant 6 : i32
      %dma_wait3A_292 = tpu.memref_slice %arg6[%rem3A_3, %dma_wait3A_291] : memref<2x8x!tpu.dma_semaphore, #tpu.memory_space<semaphore_mem>> -> memref<1x1x!tpu.dma_semaphore, #tpu.memory_space<semaphore_mem>>
      %dma_wait3A_293 = tpu.memref_squeeze %dma_wait3A_292 : memref<1x1x!tpu.dma_semaphore, #tpu.memory_space<semaphore_mem>> -> memref<!tpu.dma_semaphore, #tpu.memory_space<semaphore_mem>>
      %dma_wait3A_294 = arith.constant 589824 : i32
      %dma_wait3A_295 = tpu.memref_slice %arg2[%sub3A_290, %dma_wait3A_294] : memref<16x786432xf32, #tpu.memory_space<any>> -> memref<1x98304xf32, #tpu.memory_space<any>>
      %dma_wait3A_296 = tpu.memref_squeeze %dma_wait3A_295 : memref<1x98304xf32, #tpu.memory_space<any>> -> memref<98304xf32, #tpu.memory_space<any>>
      %dma_wait3A_297 = arith.constant 589824 : i32
      %dma_wait3A_298 = tpu.memref_slice %arg4[%rem3A_3, %dma_wait3A_297] : memref<2x786432xf32, #tpu.memory_space<vmem>> -> memref<1x98304xf32, #tpu.memory_space<vmem>>
      %dma_wait3A_299 = tpu.memref_squeeze %dma_wait3A_298 : memref<1x98304xf32, #tpu.memory_space<vmem>> -> memref<98304xf32, #tpu.memory_space<vmem>>
      tpu.wait_dma2 semaphore(%dma_wait3A_293 : memref<!tpu.dma_semaphore, #tpu.memory_space<semaphore_mem>>) src(%dma_wait3A_299 : memref<98304xf32, #tpu.memory_space<vmem>>) dst(%dma_wait3A_296 : memref<98304xf32, #tpu.memory_space<any>>)
      %dma_wait3A_300 = arith.constant 6 : i32
      %dma_wait3A_301 = tpu.memref_slice %arg6[%rem3A_0, %dma_wait3A_300] : memref<2x8x!tpu.dma_semaphore, #tpu.memory_space<semaphore_mem>> -> memref<1x1x!tpu.dma_semaphore, #tpu.memory_space<semaphore_mem>>
      %dma_wait3A_302 = tpu.memref_squeeze %dma_wait3A_301 : memref<1x1x!tpu.dma_semaphore, #tpu.memory_space<semaphore_mem>> -> memref<!tpu.dma_semaphore, #tpu.memory_space<semaphore_mem>>
      %dma_wait3A_303 = arith.constant 589824 : i32
      %dma_wait3A_304 = tpu.memref_slice %arg2[%arg0, %dma_wait3A_303] : memref<16x786432xf32, #tpu.memory_space<any>> -> memref<1x98304xf32, #tpu.memory_space<any>>
      %dma_wait3A_305 = tpu.memref_squeeze %dma_wait3A_304 : memref<1x98304xf32, #tpu.memory_space<any>> -> memref<98304xf32, #tpu.memory_space<any>>
      %dma_wait3A_306 = arith.constant 589824 : i32
      %dma_wait3A_307 = tpu.memref_slice %arg4[%rem3A_0, %dma_wait3A_306] : memref<2x786432xf32, #tpu.memory_space<vmem>> -> memref<1x98304xf32, #tpu.memory_space<vmem>>
      %dma_wait3A_308 = tpu.memref_squeeze %dma_wait3A_307 : memref<1x98304xf32, #tpu.memory_space<vmem>> -> memref<98304xf32, #tpu.memory_space<vmem>>
      tpu.wait_dma2 semaphore(%dma_wait3A_302 : memref<!tpu.dma_semaphore, #tpu.memory_space<semaphore_mem>>) src(%dma_wait3A_308 : memref<98304xf32, #tpu.memory_space<vmem>>) dst(%dma_wait3A_305 : memref<98304xf32, #tpu.memory_space<any>>)
      %sub3A_309 = arith.constant 1 : i32
      %sub3A_310 = arith.subi %arg0, %sub3A_309 : i32
      %dma_wait3A_311 = arith.constant 7 : i32
      %dma_wait3A_312 = tpu.memref_slice %arg6[%rem3A_3, %dma_wait3A_311] : memref<2x8x!tpu.dma_semaphore, #tpu.memory_space<semaphore_mem>> -> memref<1x1x!tpu.dma_semaphore, #tpu.memory_space<semaphore_mem>>
      %dma_wait3A_313 = tpu.memref_squeeze %dma_wait3A_312 : memref<1x1x!tpu.dma_semaphore, #tpu.memory_space<semaphore_mem>> -> memref<!tpu.dma_semaphore, #tpu.memory_space<semaphore_mem>>
      %dma_wait3A_314 = arith.constant 688128 : i32
      %dma_wait3A_315 = tpu.memref_slice %arg2[%sub3A_310, %dma_wait3A_314] : memref<16x786432xf32, #tpu.memory_space<any>> -> memref<1x98304xf32, #tpu.memory_space<any>>
      %dma_wait3A_316 = tpu.memref_squeeze %dma_wait3A_315 : memref<1x98304xf32, #tpu.memory_space<any>> -> memref<98304xf32, #tpu.memory_space<any>>
      %dma_wait3A_317 = arith.constant 688128 : i32
      %dma_wait3A_318 = tpu.memref_slice %arg4[%rem3A_3, %dma_wait3A_317] : memref<2x786432xf32, #tpu.memory_space<vmem>> -> memref<1x98304xf32, #tpu.memory_space<vmem>>
      %dma_wait3A_319 = tpu.memref_squeeze %dma_wait3A_318 : memref<1x98304xf32, #tpu.memory_space<vmem>> -> memref<98304xf32, #tpu.memory_space<vmem>>
      tpu.wait_dma2 semaphore(%dma_wait3A_313 : memref<!tpu.dma_semaphore, #tpu.memory_space<semaphore_mem>>) src(%dma_wait3A_319 : memref<98304xf32, #tpu.memory_space<vmem>>) dst(%dma_wait3A_316 : memref<98304xf32, #tpu.memory_space<any>>)
      %dma_wait3A_320 = arith.constant 7 : i32
      %dma_wait3A_321 = tpu.memref_slice %arg6[%rem3A_0, %dma_wait3A_320] : memref<2x8x!tpu.dma_semaphore, #tpu.memory_space<semaphore_mem>> -> memref<1x1x!tpu.dma_semaphore, #tpu.memory_space<semaphore_mem>>
      %dma_wait3A_322 = tpu.memref_squeeze %dma_wait3A_321 : memref<1x1x!tpu.dma_semaphore, #tpu.memory_space<semaphore_mem>> -> memref<!tpu.dma_semaphore, #tpu.memory_space<semaphore_mem>>
      %dma_wait3A_323 = arith.constant 688128 : i32
      %dma_wait3A_324 = tpu.memref_slice %arg2[%arg0, %dma_wait3A_323] : memref<16x786432xf32, #tpu.memory_space<any>> -> memref<1x98304xf32, #tpu.memory_space<any>>
      %dma_wait3A_325 = tpu.memref_squeeze %dma_wait3A_324 : memref<1x98304xf32, #tpu.memory_space<any>> -> memref<98304xf32, #tpu.memory_space<any>>
      %dma_wait3A_326 = arith.constant 688128 : i32
      %dma_wait3A_327 = tpu.memref_slice %arg4[%rem3A_0, %dma_wait3A_326] : memref<2x786432xf32, #tpu.memory_space<vmem>> -> memref<1x98304xf32, #tpu.memory_space<vmem>>
      %dma_wait3A_328 = tpu.memref_squeeze %dma_wait3A_327 : memref<1x98304xf32, #tpu.memory_space<vmem>> -> memref<98304xf32, #tpu.memory_space<vmem>>
      tpu.wait_dma2 semaphore(%dma_wait3A_322 : memref<!tpu.dma_semaphore, #tpu.memory_space<semaphore_mem>>) src(%dma_wait3A_328 : memref<98304xf32, #tpu.memory_space<vmem>>) dst(%dma_wait3A_325 : memref<98304xf32, #tpu.memory_space<any>>)
    } else {
    }
    return
  }
}

</mosaic_0001>

<sc_bundles>
// kernel: sparse-core-data-format-call.cloned.1.call-start
scs
called_computation_lowered:
.L_overlay_start_0:
0x0: {  	s2 =	sld [smem:$0x3FD9]  }
0x1: {  	s3 =	sld [smem:$0x3FFE];
	_ =	sdelay $0x1  }
0x2: {  	s1 =	srdreg.scid  }
0x3: {  	s0 =	sand.u32 $0x1, s1  }
0x4: {  	s18 =	sshll.u32 s0, $0xA;
	s2 =	sadd.s32 s3, s2  }
0x5: {  	s2 =	sadd.s32 s2, s18  }
0x6: {  	[smem:$0x3FC7] =	sst s2  }
0x7: {  	_ = 	snop  }
0x8: {  	s2 =	sld [smem:$0x3FD0];
	(tm) =	ssettm $0x1  }
0x9: {  	s19 =	sld [smem:$0x3FFB];
	_ =	sdelay $0x3  }
0xa: {  	_ =	strace s19  }
0xb: {  	s3 =	sld [smem:$0x3FFC];
	_ =	sdelay $0x3  }
0xc: {  	_ =	strace s3  }
0xd: {  	s3 =	sld [smem:$0x3FFD];
	_ =	sdelay $0x3  }
0xe: {  	_ =	strace s3  }
0xf: {  	_ =	strace $0x8FFFFFFF  }
0x10: {  	s20 =	sld [smem:$0x3FDB];
	_ =	sdelay $0x1  }
0x11: {  	s4 =	simm.s32 $_scs_section_size  }
0x12: {  	s5 =	simm.s32 $_size__tile_overlayer_lowered;
	s6 =	simm.s32 $_tile_overlayer_lowered  }
0x13: {  	s23 =	simm.s32 $0x1BFF;
	s22 =	sshll.u32 s6, $0x1;
	s3 =	sadd.s32 s4, s20  }
0x14: {  	s7 =	simm.s32 $0x0;
	s21 =	sshll.u32 s5, $0x1;
	s5 =	sadd.s32 s22, s3  }
0x15: {  	[timem:s7], [sflag:s23] =	dma.local [hbm:s5], s21  }
0x16: {  	_ =	swait.ge [sflag:s23], s21  }
0x17: {  	s4 =	ssub.s32 $0x0, s21;
	[sflag:s23] =	ssyncset.done $0x0  }
0x18: {  	[sflag:s23] =	ssyncadd.s32 s4;
	_ =	sdelay $0x1  }
0x19: {  	s24 =	simm.s32 $0x1B8B  }
0x1a: {  	_ =	swait.ge [sflag:s24], $0x1  }
0x1b: {  	[sflag:s24] =	ssyncset.done $0x0  }
0x1c: {  	s26 =	simm.s32 $0x1B8E;
	s25 =	sld [smem:$0x3FFE];
	[sflag:s24] =	ssyncadd.s32 $0xFFFFFFFF  }
0x1d: {  	s27 =	simm.s32 $execute0_lowered;
	[smem:$0x3FD2] =	sst s26  }
0x1e: {  	s5 =	sshll.u32 s27, $0x1;
	_ =	strace $0x80000046;
	[dreg:$0x1] =	wrdreg $0xFFFFFFFF  }
0x1f: {  	s28 =	simm.s32 $_size_execute0_lowered;
	s3 =	sadd.s32 s3, s5;
	[dreg:$0x0] =	wrdreg $0x0  }
0x20: {  	s5 =	sshll.u32 s28, $0x1;
	[dreg:$0x2] =	wrdreg s3  }
0x21: {  	[dreg:$0x3] =	wrdreg s5  }
0x22: {  	[dreg:$0x4] =	wrdreg $0xC0  }
0x23: {  	_ =	task [dreg:s7], $0x5FFFF  }
0x24: {  	[dreg:$0x1] =	wrdreg $0xFFFFFFFF  }
0x25: {  	[dreg:$0x0] =	wrdreg $0x60  }
0x26: {  	[dreg:$0x2] =	wrdreg s25  }
0x27: {  	[dreg:$0x3] =	wrdreg s2  }
0x28: {  	[dreg:$0x4] =	wrdreg $0x9  }
0x29: {  	_ =	task.clear_ibuf [dreg:s7], $0x5FFFF;
	_ =	strace $0x90000046  }
0x2a: {  	s29 =	simm.s32 $0x9;
	_ =	strace $0x80000048  }
0x2b: {  	_ =	swait.ge [sflag:s29], $0x1  }
0x2c: {  	[sflag:s29] =	ssyncadd.s32 $0xFFFFFFFF  }
0x2d: {  	_ =	strace $0x90000048  }
0x2e: {  	_ =	sfence  }
0x2f: {  	s30 =	sld [smem:$0x0];
	_ =	sdelay $0x2  }
0x30: {  	s31 =	sshll.u32 s1, $0xD;
	s1 =	sshrl.u32 s1, $0x2  }
0x31: {  	s3 =	sand.u32 $0x4000, s31;
	s1 =	sadd.s32 s1, s30  }
0x32: {  	s0 =	sor.u32 s3, s0;
	s1 =	sshll.u32 s1, $0x11  }
0x33: {  	s0 =	sor.u32 s1, s0  }
0x34: {  	s0 =	sadd.s32 $0x8F2B, s0  }
0x35: {  	[sflag:s0] =	ssyncadd.remote.s32 $0x1  }
0x36: {  	_ =	sfence.sel $0xFFFF  }
0x37: {  	[dreg:$0x0] =	wrdreg $0xFFFFFFFF;
	(pc) =	sbr.abs _section_cstart, $3  }
0x38: {  	[dreg:$0x1] =	wrdreg $0xFFFFFFFF  }
0x39: {  	_ =	task.clear_ibuf [dreg:s7], $0x2FFFF;
	_ =	strace $0x9FFFFFFF  }
0x3a: {  	(tm) =	ssettm $0x7FFFFFFF  }
0x3b: {  	_ =	shalt  }
tec
execute0_lowered:
.L_overlay_start_1:
0x0: {  	(tag) =	ssettag $0x1  }
0x1: {  	s3 =	rddreg [dreg:$0x0]  }
0x2: {  	s0 =	srdreg.scid;
	s2 =	rddreg [dreg:$0x1]  }
0x3: {  	s4 =	simm.s32 $0x1;
	s7 =	simm.s32 $0x2;
	s13 =	simm.s32 $0x0  }
0x4: {  	p0 =	por $0x0, $0x0;
	s8 =	simm.s32 $0x1800;
	s1 =	sand.u32 $0x1, s0  }
0x5: {  	s15 =	simm.s32 $0x0;
	s14 =	simm.s32 $0x0;
	s5 =	ssub.s32 $0x20, s1  }
.Ltmp0:
0x6: {  	s10 =	simm.s32 $0x0;
	s6 =	sshrl.u32 s5, $0x1;
	(pc) =	sbr.rel .LBB1_1-.Ltmp0, $4  }
0x7: {  	s0 =	rddreg [dreg:$0x2];
	_ =	strace $0x80000047;
	s5 =	ssub.s32 s5, s6  }
0x8: {  	s11 =	stileid.u32;
	[sflag:s4] =	ssyncpa.u1 $0x0;
	s5 =	smul.u32 $0x6, s5  }
0x9: {  	s12 =	simm.s32 $0x0;
	s9 =	smov.u32 s1;
	[sflag:s7] =	ssyncpa.u1 $0x0  }
0xa: {  	s6 =	sadd.s32 $0x180400, s3;
	s3 =	stileid.u32;
	s7 =	sor.u32 $0x1, s5  }
.LBB1_4:
0xb: {  	s18 =	sshll.u32 s15, $0x3  }
0xc: {  	s30 =	sand.u32 $0x7F, s15;
	s18 =	sand.u32 $0xFFFFFC00, s18  }
0xd: {  	s15 =	sor.u32 s30, s18  }
0xe: {  	s19 =	smulhi.u32 $0xAAAAAAAB, s15  }
0xf: {  	s18 =	smulhi.u32 $0xAAAAAAAB, s18  }
0x10: {  	s14 =	smul.u32 $0x18000, s14;
	s19 =	sshrl.u32 s19, $0x9  }
0x11: {  	s18 =	sshrl.u32 s18, $0x9;
	s19 =	smul.u32 $0x300, s19  }
0x12: {  	s13 =	smul.u32 $0xC00, s13;
	s18 =	sand.u32 $0x1F, s18  }
0x13: {  	s14 =	sadd.s32 s2, s14;
	s18 =	smul.u32 $0x60, s18;
	s15 =	ssub.s32 s15, s19  }
0x14: {  	s13 =	sadd.s32 s13, s14;
	s31 =	sand.u32 $0x7, s15  }
0x15: {  	s13 =	sadd.s32 s18, s13;
	s15 =	sshrl.u32 s15, $0x3;
	s14 =	sshll.u32 s31, $0x12  }
0x16: {  	[tilespmem:s17+$0x0 ss:$0x81] =	vst.msk $0xffff, v0;
	s13 =	sadd.s32 s15, s13;
	s14 =	sor.u32 $0x400, s14  }
0x17: {  	[hbm4b:s13+s14] =	stream.strided.scatter [tilespmem:s16], [sflag:$0x2], $0x1000, s8, s14, $0x20;
	[tilespmem:$0x4040] =	vst v63  }
.LBB1_5:
0x18: {  	s16 =	sadd.s32 $0x2, s9  }
0x19: {  	s13 =	sadd.s32 $0x80, s10;
	s17 =	smov.u32 s10;
	p2 =	sgt.s32 s16, $0x1F  }
0x1a: {  	s17 =	smov.u32 @p2 s13  }
0x1b: {  	s19 =	smov.u32 s11;
	s13 =	sadd.s32 $0x10, s11;
	p3 =	sgt.s32 s17, $0x2FF  }
0x1c: {  	s19 =	smov.u32 @p3 s13  }
0x1d: {  	s16 =	smov.u32 @p2 s1;
	p2 =	sgt.s32 s19, $0xF  }
0x1e: {  	p1 =	slt.u32 s12, $0x2;
	s19 =	smov.u32 @p2 s3;
	p2 =	sne.s32 s12, s7  }
.Ltmp1:
0x1f: {  	s18 =	simm.s32 @!p1 $0x2;
	(pc) =	sbr.rel @!p2 .LBB1_6-.Ltmp1, $4  }
0x20: {  	s15 =	smov.u32 s10;
	s14 =	smov.u32 s11;
	_ =	swait.ge @!p1 [sflag:s18], $0x1000  }
0x21: {  	p0 =	por !p0, !p0;
	[sflag:s18] =	ssyncset.done @!p1 $0x0;
	s17 =	simm.s32 @p3 $0x0  }
0x22: {  	s13 =	smov.u32 s9;
	[sflag:s18] =	ssyncadd.s32 @!p1 $0xFFFFF000;
	s9 =	smov.u32 s16  }
0x23: {  	s10 =	smov.u32 s17;
	s12 =	sadd.s32 $0x1, s12;
	s11 =	smov.u32 s19  }
.LBB1_1:
0x24: {  	p1 =	sge.u32 s12, s5  }
0x25: {  	s17 =	smul.u32 @!p1 $0x60000, s11  }
0x26: {  	s31 =	sadd.s32 $0xFFFFFFFF, s12;
	s16 =	sxor.u32 @!p1 $0xFFFFFFFF, s12;
	s18 =	sshll.u32 @!p1 s10, $0x9  }
0x27: {  	s19 =	sshll.u32 @!p1 s9, $0x4;
	s16 =	sshll.u32 @!p1 s16, $0xC;
	s17 =	sadd.s32 @!p1 s6, s17  }
0x28: {  	s19 =	sand.u32 @!p1 $0x1F0, s19;
	s16 =	sand.u32 @!p1 $0x1000, s16;
	s17 =	sadd.s32 @!p1 s18, s17  }
0x29: {  	s18 =	simm.s32 @!p1 $0x20;
	s17 =	sadd.s32 @!p1 s19, s17;
	s19 =	simm.s32 @!p1 $0x1000  }
0x2a: {  	[tilespmem:s16], [sflag:$0x1] =	stream.strided.gather @!p1 [hbm4b:s17+s18], $0x1000, s19, s18, $0x38;
	[tilespmem:$0x4040] =	vst v63  }
0x2b: {  	p1 =	sge.u32 s31, s5  }
.Ltmp2:
0x2c: {  	_ = 	snop;
	(pc) =	sbr.rel @p1 .LBB1_5-.Ltmp2, $1  }
0x2d: {  	_ =	sdelay $0x3  }
0x2e: {  	s16 =	simm.s32 $0x1  }
0x2f: {  	_ =	swait.ge [sflag:s4], $0x1000;
	s16 =	simm.s32 @!p0 $0x0  }
0x30: {  	[sflag:s4] =	ssyncset.done $0x0;
	s17 =	sshll.u32 s16, $0xC  }
0x31: {  	[sflag:s4] =	ssyncadd.s32 $0xFFFFF000;
	s20 =	sor.u32 $0x10, s17  }
0x32: {  	s16 =	smul.u32 $0x4080, s16;
	v1 =	vld [tilespmem:s20+$0x0]  }
0x33: {  	s30 =	sand.u32 $0x1, s12;
	v0 =	vld [tilespmem:s20+$0xFFFFFFF0]  }
0x34: {  	s17 =	smul.u32 $0x4080, s30;
	s16 =	sshrl.u32 s16, $0x2  }
0x35: {  	s18 =	sor.u32 $0x2000, s16  }
0x36: {  	s31 =	sshrl.u32 s17, $0x2;
	s17 =	sadd.s32 $0x0, s18  }
0x37: {  	s19 =	simm.s32 $0x4;
	s20 =	sadd.s32 $0x20, s20;
	s16 =	sor.u32 $0x2000, s31;
	[tilespmem:s17+$0x810 ss:$0x81] =	vst.msk $0xffff, v1  }
.LBB1_3:
0x38: {  	v1 =	vld [tilespmem:s20+$0x0];
	p1 =	sne.s32 s19, $0x1FC;
	[tilespmem:s17+$0x0 ss:$0x81] =	vst.msk $0xffff, v0;
	s17 =	smov.u32 s19;
	s19 =	sadd.s32 $0x4, s19  }
.Ltmp3:
0x39: {  	v0 =	vld [tilespmem:s20+$0xFFFFFFF0];
	(pc) =	sbr.rel @p1 .LBB1_3-.Ltmp3, $4  }
0x3a: {  	_ = 	snop  }
0x3b: {  	s17 =	sshra.s32 s17, $0x2  }
0x3c: {  	s17 =	sadd.s32 s17, s18  }
0x3d: {  	s20 =	sadd.s32 $0x20, s20;
	[tilespmem:s17+$0x810 ss:$0x81] =	vst.msk $0xffff, v1  }
.Ltmp4:
0x3e: {  	_ = 	snop;
	(pc) =	sbr.rel .LBB1_4-.Ltmp4, $1  }
0x3f: {  	_ =	sdelay $0x3  }
.LBB1_6:
0x40: {  	_ =	sfence.sel $0x180000  }
0x41: {  	s1 =	simm.s32 $0x1;
	[bflag:$0x0] =	sbarrier.arrive $0xFFFF  }
0x42: {  	s31 =	simm.s32 $0x2;
	[sflag:s1] =	ssyncpa.u1 $0x1  }
0x43: {  	[sflag:s31] =	ssyncpa.u1 $0x1  }
0x44: {  	p0 =	sne.s32 s3, $0x0;
	_ =	strace $0x90000047  }
0x45: {  	s0 =	sadd.s32 @!p0 $0x100000, s0;
	[bflag:$0x2] =	sbarrier.arrive $0xFFFF  }
0x46: {  	[sflag:s0] =	ssyncadd.tile.s32 @!p0 $0x1;
	_ =	shalt  }
.Lfunc_end1:
_tile_overlayer_lowered:
.L_overlay_start_2:
0x47: {  	(tag) =	ssettag $0x2  }
0x48: {  	s0 =	rddreg [dreg:$0x0];
	s2 =	stileid.u32  }
0x49: {  	s1 =	rddreg [dreg:$0x1];
	p0 =	sne.s32 s2, $0x0  }
0x4a: {  	s3 =	rddreg [dreg:$0x2];
	[bflag:$0x3] =	sbarrier.arrive $0xFFFF;
	s2 =	simm.s32 @!p0 $0x1C01  }
0x4b: {  	[timem:s3], [sflag:s2] =	dma.local @!p0 [hbm:s0], s1  }
0x4c: {  	s0 =	simm.s32 @!p0 $0x1  }
0x4d: {  	_ =	swait.ge @!p0 [sflag:s0], s1  }
0x4e: {  	s1 =	ssub.s32 @!p0 $0x0, s1;
	[sflag:s0] =	ssyncset.done @!p0 $0x0  }
0x4f: {  	[sflag:s0] =	ssyncadd.s32 @!p0 s1  }
0x50: {  	[bflag:$0x3] =	sbarrier.arrive $0xFFFF  }
0x51: {  	_ =	shalt  }

</sc_bundles>
